<compile_context>
chip_gen: v7x
topology: tpu7x:2x2x1
jax: 0.10.2.dev20260603
libtpu: 0.0.44.dev20260713+nightly
codegen_flags: <defaults>
</compile_context>

<pallas_src>
import jax
import jax.numpy as jnp
from jax import lax
from jax.experimental import pallas as pl
from jax.experimental.pallas import tpu as pltpu
from jax.experimental.pallas import tpu_sc as plsc

N = 10000
C = 128
H = 64
E = 320000
NSUB = 16
EPT = E // NSUB
CH = 80
NCHUNK = EPT // CH


def _dot(a, b):
    return jnp.dot(a, b, preferred_element_type=jnp.float32)


def _prep_body(x_ref, posp_ref, wpos_ref, bpos_ref, wsrc_ref, wlin_ref,
               t_ref, pb_ref):
    X = x_ref[...]
    P = _dot(posp_ref[...], wpos_ref[0])
    S = _dot(X, wsrc_ref[0]) + P
    V = _dot(X, wlin_ref[0]) - P
    mn = jnp.min(S, axis=0, keepdims=True)
    Es = jnp.exp(mn - S)
    t_ref[...] = jnp.concatenate([Es, Es * V], axis=1)
    pb_ref[0] = P + bpos_ref[0]


_PREP_SPECS = dict(
    grid=(2,),
    out_specs=[
        pl.BlockSpec((N, C), lambda h: (h, 0)),
        pl.BlockSpec((1, N, H), lambda h: (h, 0, 0)),
    ],
    out_shape=[
        jax.ShapeDtypeStruct((2 * N, C), jnp.float32),
        jax.ShapeDtypeStruct((2, N, H), jnp.float32),
    ],
    compiler_params=pltpu.CompilerParams(
        dimension_semantics=("arbitrary",),
        vmem_limit_bytes=64 * 1024 * 1024),
)

_W_SPECS = [
    pl.BlockSpec((N, 3), lambda h: (0, 0)),
    pl.BlockSpec((1, 3, H), lambda h: (h, 0, 0)),
    pl.BlockSpec((1, 1, H), lambda h: (h, 0, 0)),
    pl.BlockSpec((1, C, H), lambda h: (h, 0, 0)),
    pl.BlockSpec((1, C, H), lambda h: (h, 0, 0)),
]


def _prep(x, posp, wposp, bpos2, wsrc, wlin):
    return pl.pallas_call(
        _prep_body,
        in_specs=[pl.BlockSpec((N, C), lambda h: (0, 0))] + _W_SPECS,
        **_PREP_SPECS,
    )(x, posp, wposp, bpos2, wsrc, wlin)


def _finalize_h(acca_ref, accb_ref, pb_ref):
    den = jnp.concatenate([acca_ref[:, :H], accb_ref[:, :H]], axis=1)
    num = jnp.concatenate([acca_ref[:, H:], accb_ref[:, H:]], axis=1)
    pbf = jnp.concatenate([pb_ref[0], pb_ref[1]], axis=1)
    hidden = jnp.where(den > 0.0, num / den + pbf, 0.0)
    return jnp.maximum(hidden, 0.0)


def _mid_body(acca_ref, accb_ref, pb1_ref, posp_ref, wpos_ref, bpos_ref,
              wsrc_ref, wlin_ref, t_ref, pb_ref):
    X = _finalize_h(acca_ref, accb_ref, pb1_ref)
    P = _dot(posp_ref[...], wpos_ref[0])
    S = _dot(X, wsrc_ref[0]) + P
    V = _dot(X, wlin_ref[0]) - P
    mn = jnp.min(S, axis=0, keepdims=True)
    Es = jnp.exp(mn - S)
    t_ref[...] = jnp.concatenate([Es, Es * V], axis=1)
    pb_ref[0] = P + bpos_ref[0]


def _mid(acc1, pb1, posp, wposp, bpos2, wsrc, wlin):
    return pl.pallas_call(
        _mid_body,
        in_specs=[
            pl.BlockSpec((N, C), lambda h: (0, 0)),
            pl.BlockSpec((N, C), lambda h: (1, 0)),
            pl.BlockSpec((2, N, H), lambda h: (0, 0, 0)),
        ] + _W_SPECS,
        **_PREP_SPECS,
    )(acc1, acc1, pb1, posp, wposp, bpos2, wsrc, wlin)


def _head_body(acca_ref, accb_ref, pb2_ref, w1_ref, b1_ref, w2t_ref, b2_ref,
               out_ref):
    hidden = _finalize_h(acca_ref, accb_ref, pb2_ref)
    f = _dot(hidden, w1_ref[...])
    f = jnp.maximum(f + b1_ref[...], 0.0)
    out_ref[...] = (jnp.sum(f * w2t_ref[...], axis=1, keepdims=True)
                    + b2_ref[...])


def _head(acc2, pb2, fc1w, fc1b2, fc2wt, fc2b2):
    return pl.pallas_call(
        _head_body,
        grid=(1,),
        in_specs=[
            pl.BlockSpec((N, C), lambda i: (0, 0)),
            pl.BlockSpec((N, C), lambda i: (1, 0)),
            pl.BlockSpec((2, N, H), lambda i: (0, 0, 0)),
            pl.BlockSpec((C, H), lambda i: (0, 0)),
            pl.BlockSpec((1, H), lambda i: (0, 0)),
            pl.BlockSpec((1, H), lambda i: (0, 0)),
            pl.BlockSpec((1, 1), lambda i: (0, 0)),
        ],
        out_specs=pl.BlockSpec((N, 1), lambda i: (0, 0)),
        out_shape=jax.ShapeDtypeStruct((N, 1), jnp.float32),
    )(acc2, acc2, pb2, fc1w, fc1b2, fc2wt, fc2b2)


def _edge_body(t_hbm, ei_hbm, acc_hbm, shared, dstv, idxv, dsc,
               rows0, rows1, sem0, sem1):
    c = lax.axis_index("c")
    s = lax.axis_index("s")
    coff = c * N
    rbase = s * 640

    def zrow(r, cc):
        for t in range(C // 16):
            rows0[r, pl.ds(t * 16, 16)] = jnp.zeros((16,), jnp.float32)
        return cc

    lax.fori_loop(0, CH, zrow, 0)

    @pl.when(s < 15)
    def _():
        def zcp(k, cc):
            pltpu.sync_copy(rows0, shared.at[pl.ds(rbase + k * CH, CH)])
            return cc

        lax.fori_loop(0, 640 // CH, zcp, 0)

    @pl.when(s == 15)
    def _():
        def zcp(k, cc):
            pltpu.sync_copy(rows0, shared.at[pl.ds(9600 + k * CH, CH)])
            return cc

        lax.fori_loop(0, 400 // CH, zcp, 0)

    plsc.subcore_barrier()

    def gather(j, rows, sem):
        return pltpu.async_copy(
            t_hbm.at[idxv.at[pl.ds(j * CH, CH)]], rows, sem)

    def wait(j, rows, sem):
        pltpu.make_async_copy(
            t_hbm.at[idxv.at[pl.ds(j * CH, CH)]], rows, sem).wait()

    def repack(j):
        for t in range(CH // 16):
            dsc[pl.ds(t * 16, 16)] = dstv[pl.ds(j * CH + t * 16, 16)]

    def scatter(rows):
        pltpu.sync_copy(rows, shared.at[dsc], add=True)

    NC2 = NCHUNK // 2
    NPAIR = NC2 // 2

    def stage_body(hh, carry):
        ebase = s * EPT + hh * (EPT // 2)
        pltpu.sync_copy(ei_hbm.at[pl.ds(E + ebase, EPT // 2)], dstv)
        pltpu.sync_copy(ei_hbm.at[pl.ds(ebase, EPT // 2)], idxv)

        def addoff(k, cc):
            idxv[pl.ds(k * 16, 16)] = idxv[pl.ds(k * 16, 16)] + coff
            return cc

        lax.fori_loop(0, (EPT // 2) // 16, addoff, 0)

        gather(0, rows0, sem0)

        def pair_body(k, cc):
            j0 = 2 * k
            j1 = j0 + 1
            gather(j1, rows1, sem1)
            repack(j0)
            wait(j0, rows0, sem0)
            scatter(rows0)

            @pl.when(k < NPAIR - 1)
            def _():
                gather(j0 + 2, rows0, sem0)

            repack(j1)
            wait(j1, rows1, sem1)
            scatter(rows1)
            return cc

        lax.fori_loop(0, NPAIR, pair_body, 0)
        gather(NC2 - 1, rows0, sem0)
        repack(NC2 - 1)
        wait(NC2 - 1, rows0, sem0)
        scatter(rows0)
        return carry

    lax.fori_loop(0, 2, stage_body, 0)
    plsc.subcore_barrier()

    @pl.when(s < 15)
    def _():
        pltpu.sync_copy(shared.at[pl.ds(rbase, 640)],
                        acc_hbm.at[pl.ds(coff + rbase, 640)])

    @pl.when(s == 15)
    def _():
        pltpu.sync_copy(shared.at[pl.ds(9600, 400)],
                        acc_hbm.at[pl.ds(coff + 9600, 400)])


def _edge(tstk, ei):
    f = pl.kernel(
        _edge_body,
        out_type=jax.ShapeDtypeStruct((2 * N, C), jnp.float32),
        mesh=plsc.VectorSubcoreMesh(core_axis_name="c", subcore_axis_name="s"),
        scratch_types=[
            pltpu.VMEM_SHARED((N, C), jnp.float32),
            pltpu.VMEM((EPT // 2,), jnp.int32),
            pltpu.VMEM((EPT // 2,), jnp.int32),
            pltpu.VMEM((CH,), jnp.int32),
            pltpu.VMEM((CH, C), jnp.float32),
            pltpu.VMEM((CH, C), jnp.float32),
            pltpu.SemaphoreType.DMA,
            pltpu.SemaphoreType.DMA,
        ],
    )
    return f(tstk, ei)


def kernel(x, pos, edge_index, batch, c1_Wpos, c1_bpos, c1_Wsrc, c1_Wdst,
           c1_Wlin, c2_Wpos, c2_bpos, c2_Wsrc, c2_Wdst, c2_Wlin, fc1_W,
           fc1_b, fc2_W, fc2_b):
    def _half(w):
        return jnp.stack([w[:, :H], w[:, H:]])

    posp = pos
    w1p = _half(c1_Wpos)
    w2p = _half(c2_Wpos)
    b1_2 = c1_bpos.reshape(2, 1, H)
    b2_2 = c2_bpos.reshape(2, 1, H)
    ei_flat = edge_index.reshape(2 * E)

    t1, pb1 = _prep(x, posp, w1p, b1_2, _half(c1_Wsrc), _half(c1_Wlin))
    acc1 = _edge(t1, ei_flat)
    t2, pb2 = _mid(acc1, pb1, posp, w2p, b2_2, _half(c2_Wsrc), _half(c2_Wlin))
    acc2 = _edge(t2, ei_flat)
    out = _head(acc2, pb2, fc1_W, fc1_b.reshape(1, H),
                fc2_W.reshape(1, H), fc2_b.reshape(1, 1))
    return out

# --- scband reference (transcript-rebuilt; emitter-appended) ---
"""Pipeline reference for scband-point-transformer-net-47115791237239 (READ-ONLY COPY).

The authoritative reference and input builder live on the scoring server;
editing this copy changes nothing except your own understanding.
"""

import jax, jax.numpy as jnp
import numpy as np

N = 10000
E = 320000
IN_C = 128
HID = 128
OUT_C = 1

def _lin_init(key, fan_in, shape):
    return jax.random.normal(key, shape, dtype=jnp.float32) * (1.0 / np.sqrt(fan_in))

def setup_inputs(seed: int = 0):
    key = jax.random.key(seed)
    ks = jax.random.split(key, 24)
    inp = {}
    inp["x"] = jax.random.normal(ks[0], (N, IN_C), dtype=jnp.float32)
    inp["pos"] = jax.random.uniform(ks[1], (N, 3), dtype=jnp.float32)
    inp["edge_index"] = jax.random.randint(ks[2], (2, E), 0, N, dtype=jnp.int32)
    inp["batch"] = jnp.zeros((N,), dtype=jnp.int32)
    inp["c1_Wpos"] = _lin_init(ks[3], 3, (3, HID))
    inp["c1_bpos"] = jnp.zeros((HID,), dtype=jnp.float32)
    inp["c1_Wsrc"] = _lin_init(ks[4], IN_C, (IN_C, HID))
    inp["c1_Wdst"] = _lin_init(ks[5], IN_C, (IN_C, HID))
    inp["c1_Wlin"] = _lin_init(ks[6], IN_C, (IN_C, HID))
    inp["c2_Wpos"] = _lin_init(ks[7], 3, (3, HID))
    inp["c2_bpos"] = jnp.zeros((HID,), dtype=jnp.float32)
    inp["c2_Wsrc"] = _lin_init(ks[8], HID, (HID, HID))
    inp["c2_Wdst"] = _lin_init(ks[9], HID, (HID, HID))
    inp["c2_Wlin"] = _lin_init(ks[10], HID, (HID, HID))
    inp["fc1_W"] = _lin_init(ks[11], HID, (HID, HID // 2))
    inp["fc1_b"] = jnp.zeros((HID // 2,), dtype=jnp.float32)
    inp["fc2_W"] = _lin_init(ks[12], HID // 2, (HID // 2, OUT_C))
    inp["fc2_b"] = jnp.zeros((OUT_C,), dtype=jnp.float32)
    return inp

def _segment_softmax(alpha, index, num_segments):
    amax = jax.ops.segment_max(alpha, index, num_segments=num_segments)
    amax = jnp.where(jnp.isfinite(amax), amax, 0.0)
    ex = jnp.exp(alpha - amax[index])
    denom = jax.ops.segment_sum(ex, index, num_segments=num_segments)
    return ex / (denom[index] + 1e-16)

def _pt_conv(x, pos, src, dst, Wpos, bpos, Wsrc, Wdst, Wlin):
    # Faithful PyG PointTransformerConv: alpha_i = lin_dst(x_i), alpha_j = lin_src(x_j),
    # delta = pos_nn(pos_i - pos_j), attn = softmax_i(alpha_i - alpha_j + delta),
    # out_i = sum_j attn * (lin(x_j) + delta).  (i = dst, j = src)
    n = x.shape[0]
    alpha_dst = x @ Wdst
    alpha_src = x @ Wsrc
    val = x @ Wlin
    delta = (pos[dst] - pos[src]) @ Wpos + bpos
    alpha = alpha_dst[dst] - alpha_src[src] + delta
    alpha = _segment_softmax(alpha, dst, n)
    msg = alpha * (val[src] + delta)
    return jax.ops.segment_sum(msg, dst, num_segments=n)

def reference(x, pos, edge_index, batch, c1_Wpos, c1_bpos, c1_Wsrc, c1_Wdst, c1_Wlin, c2_Wpos, c2_bpos, c2_Wsrc, c2_Wdst, c2_Wlin, fc1_W, fc1_b, fc2_W, fc2_b):
    src = edge_index[0]
    dst = edge_index[1]
    h = jax.nn.relu(_pt_conv(x, pos, src, dst, c1_Wpos, c1_bpos, c1_Wsrc, c1_Wdst, c1_Wlin))
    h = jax.nn.relu(_pt_conv(h, pos, src, dst, c2_Wpos, c2_bpos, c2_Wsrc, c2_Wdst, c2_Wlin))
    h = jax.nn.relu(h @ fc1_W + fc1_b)
    out = h @ fc2_W + fc2_b
    return out

if __name__ == "__main__":
    import jax
    _d = setup_inputs()
    print(jax.jit(kernel)(*tuple(_d.values())))

</pallas_src>

<mosaic_0001>
#map = affine_map<(d0, d1) -> (0, 0)>
#map1 = affine_map<(d0, d1) -> (0)>
module attributes {stable_mosaic.version = 14 : i64} {
  func.func @_edge_body(%arg0: i32, %arg1: i32, %arg2: memref<20000x128xf32, #tpu.memory_space<hbm>>, %arg3: memref<640000xi32, #tpu.memory_space<hbm>>, %arg4: memref<20000x128xf32, #tpu.memory_space<hbm>>, %arg5: memref<10000x128xf32, #tpu.memory_space<vmem_shared>>, %arg6: memref<10000xi32, #tpu.memory_space<vmem>>, %arg7: memref<10000xi32, #tpu.memory_space<vmem>>, %arg8: memref<80xi32, #tpu.memory_space<vmem>>, %arg9: memref<80x128xf32, #tpu.memory_space<vmem>>, %arg10: memref<80x128xf32, #tpu.memory_space<vmem>>, %arg11: memref<!tpu.dma_semaphore, #tpu.memory_space<semaphore_mem>>, %arg12: memref<!tpu.dma_semaphore, #tpu.memory_space<semaphore_mem>>) attributes {dimension_semantics = [#tpu.dimension_semantics<core_parallel>, #tpu.dimension_semantics<subcore_parallel>], iteration_bounds = array<i64: 2, 16>, scalar_prefetch = 0 : i64, scratch_operands = 8 : i64, tpu.core_type = #tpu.core_type<sc_vector_subcore>, window_params = [{transform_indices = #map}, {transform_indices = #map1}, {transform_indices = #map}]} {
    %mul3A = arith.constant 10000 : i32
    %mul3A_0 = arith.muli %arg0, %mul3A : i32
    %mul3A_1 = arith.constant 640 : i32
    %mul3A_2 = arith.muli %arg1, %mul3A_1 : i32
    %scan3A = arith.constant 0 : i32
    %scan3A_3 = arith.constant 0 : i32
    %scan3A_4 = arith.constant 80 : i32
    %scan3A_5 = arith.addi %scan3A_3, %scan3A_4 : i32
    %scan3A_6 = arith.constant 1 : i32
    scf.for %scan3A_31 = %scan3A_3 to %scan3A_5 step %scan3A_6  : i32 {
      %broadcast_in_dim3A = arith.constant 0.000000e+00 : f32
      %broadcast_in_dim3A_32 = vector.broadcast %broadcast_in_dim3A : f32 to vector<16xf32>
      %swap3A = arith.index_cast %scan3A_31 : i32 to index
      %swap3A_33 = arith.constant 0 : index
      %swap3A_34 = tpu.vector_load %arg9[%swap3A, %swap3A_33] {strides = array<i32>} : memref<80x128xf32, #tpu.memory_space<vmem>>, vector<1x16xf32>,
      %swap3A_35 = vector.shape_cast %swap3A_34 : vector<1x16xf32> to vector<16xf32>
      %swap3A_36 = vector.shape_cast %broadcast_in_dim3A_32 : vector<16xf32> to vector<1x16xf32>
      tpu.vector_store %arg9[%swap3A, %swap3A_33], %swap3A_36 {strides = array<i32>} : memref<80x128xf32, #tpu.memory_space<vmem>>, vector<1x16xf32>,
      %broadcast_in_dim3A_37 = arith.constant 0.000000e+00 : f32
      %broadcast_in_dim3A_38 = vector.broadcast %broadcast_in_dim3A_37 : f32 to vector<16xf32>
      %swap3A_39 = arith.index_cast %scan3A_31 : i32 to index
      %swap3A_40 = arith.constant 16 : index
      %swap3A_41 = tpu.vector_load %arg9[%swap3A_39, %swap3A_40] {strides = array<i32>} : memref<80x128xf32, #tpu.memory_space<vmem>>, vector<1x16xf32>,
      %swap3A_42 = vector.shape_cast %swap3A_41 : vector<1x16xf32> to vector<16xf32>
      %swap3A_43 = vector.shape_cast %broadcast_in_dim3A_38 : vector<16xf32> to vector<1x16xf32>
      tpu.vector_store %arg9[%swap3A_39, %swap3A_40], %swap3A_43 {strides = array<i32>} : memref<80x128xf32, #tpu.memory_space<vmem>>, vector<1x16xf32>,
      %broadcast_in_dim3A_44 = arith.constant 0.000000e+00 : f32
      %broadcast_in_dim3A_45 = vector.broadcast %broadcast_in_dim3A_44 : f32 to vector<16xf32>
      %swap3A_46 = arith.index_cast %scan3A_31 : i32 to index
      %swap3A_47 = arith.constant 32 : index
      %swap3A_48 = tpu.vector_load %arg9[%swap3A_46, %swap3A_47] {strides = array<i32>} : memref<80x128xf32, #tpu.memory_space<vmem>>, vector<1x16xf32>,
      %swap3A_49 = vector.shape_cast %swap3A_48 : vector<1x16xf32> to vector<16xf32>
      %swap3A_50 = vector.shape_cast %broadcast_in_dim3A_45 : vector<16xf32> to vector<1x16xf32>
      tpu.vector_store %arg9[%swap3A_46, %swap3A_47], %swap3A_50 {strides = array<i32>} : memref<80x128xf32, #tpu.memory_space<vmem>>, vector<1x16xf32>,
      %broadcast_in_dim3A_51 = arith.constant 0.000000e+00 : f32
      %broadcast_in_dim3A_52 = vector.broadcast %broadcast_in_dim3A_51 : f32 to vector<16xf32>
      %swap3A_53 = arith.index_cast %scan3A_31 : i32 to index
      %swap3A_54 = arith.constant 48 : index
      %swap3A_55 = tpu.vector_load %arg9[%swap3A_53, %swap3A_54] {strides = array<i32>} : memref<80x128xf32, #tpu.memory_space<vmem>>, vector<1x16xf32>,
      %swap3A_56 = vector.shape_cast %swap3A_55 : vector<1x16xf32> to vector<16xf32>
      %swap3A_57 = vector.shape_cast %broadcast_in_dim3A_52 : vector<16xf32> to vector<1x16xf32>
      tpu.vector_store %arg9[%swap3A_53, %swap3A_54], %swap3A_57 {strides = array<i32>} : memref<80x128xf32, #tpu.memory_space<vmem>>, vector<1x16xf32>,
      %broadcast_in_dim3A_58 = arith.constant 0.000000e+00 : f32
      %broadcast_in_dim3A_59 = vector.broadcast %broadcast_in_dim3A_58 : f32 to vector<16xf32>
      %swap3A_60 = arith.index_cast %scan3A_31 : i32 to index
      %swap3A_61 = arith.constant 64 : index
      %swap3A_62 = tpu.vector_load %arg9[%swap3A_60, %swap3A_61] {strides = array<i32>} : memref<80x128xf32, #tpu.memory_space<vmem>>, vector<1x16xf32>,
      %swap3A_63 = vector.shape_cast %swap3A_62 : vector<1x16xf32> to vector<16xf32>
      %swap3A_64 = vector.shape_cast %broadcast_in_dim3A_59 : vector<16xf32> to vector<1x16xf32>
      tpu.vector_store %arg9[%swap3A_60, %swap3A_61], %swap3A_64 {strides = array<i32>} : memref<80x128xf32, #tpu.memory_space<vmem>>, vector<1x16xf32>,
      %broadcast_in_dim3A_65 = arith.constant 0.000000e+00 : f32
      %broadcast_in_dim3A_66 = vector.broadcast %broadcast_in_dim3A_65 : f32 to vector<16xf32>
      %swap3A_67 = arith.index_cast %scan3A_31 : i32 to index
      %swap3A_68 = arith.constant 80 : index
      %swap3A_69 = tpu.vector_load %arg9[%swap3A_67, %swap3A_68] {strides = array<i32>} : memref<80x128xf32, #tpu.memory_space<vmem>>, vector<1x16xf32>,
      %swap3A_70 = vector.shape_cast %swap3A_69 : vector<1x16xf32> to vector<16xf32>
      %swap3A_71 = vector.shape_cast %broadcast_in_dim3A_66 : vector<16xf32> to vector<1x16xf32>
      tpu.vector_store %arg9[%swap3A_67, %swap3A_68], %swap3A_71 {strides = array<i32>} : memref<80x128xf32, #tpu.memory_space<vmem>>, vector<1x16xf32>,
      %broadcast_in_dim3A_72 = arith.constant 0.000000e+00 : f32
      %broadcast_in_dim3A_73 = vector.broadcast %broadcast_in_dim3A_72 : f32 to vector<16xf32>
      %swap3A_74 = arith.index_cast %scan3A_31 : i32 to index
      %swap3A_75 = arith.constant 96 : index
      %swap3A_76 = tpu.vector_load %arg9[%swap3A_74, %swap3A_75] {strides = array<i32>} : memref<80x128xf32, #tpu.memory_space<vmem>>, vector<1x16xf32>,
      %swap3A_77 = vector.shape_cast %swap3A_76 : vector<1x16xf32> to vector<16xf32>
      %swap3A_78 = vector.shape_cast %broadcast_in_dim3A_73 : vector<16xf32> to vector<1x16xf32>
      tpu.vector_store %arg9[%swap3A_74, %swap3A_75], %swap3A_78 {strides = array<i32>} : memref<80x128xf32, #tpu.memory_space<vmem>>, vector<1x16xf32>,
      %broadcast_in_dim3A_79 = arith.constant 0.000000e+00 : f32
      %broadcast_in_dim3A_80 = vector.broadcast %broadcast_in_dim3A_79 : f32 to vector<16xf32>
      %swap3A_81 = arith.index_cast %scan3A_31 : i32 to index
      %swap3A_82 = arith.constant 112 : index
      %swap3A_83 = tpu.vector_load %arg9[%swap3A_81, %swap3A_82] {strides = array<i32>} : memref<80x128xf32, #tpu.memory_space<vmem>>, vector<1x16xf32>,
      %swap3A_84 = vector.shape_cast %swap3A_83 : vector<1x16xf32> to vector<16xf32>
      %swap3A_85 = vector.shape_cast %broadcast_in_dim3A_80 : vector<16xf32> to vector<1x16xf32>
      tpu.vector_store %arg9[%swap3A_81, %swap3A_82], %swap3A_85 {strides = array<i32>} : memref<80x128xf32, #tpu.memory_space<vmem>>, vector<1x16xf32>,
    }
    %scan3A_7 = arith.constant 80 : i32
    %lt3A = arith.constant 15 : i32
    %lt3A_8 = arith.cmpi slt, %arg1, %lt3A : i32
    %convert_element_type3A = arith.extui %lt3A_8 : i1 to i32
    %cond3A = arith.constant 0 : i32
    %cond3A_9 = arith.cmpi ne, %convert_element_type3A, %cond3A : i32
    scf.if %cond3A_9 {
      %scan3A_31 = arith.constant 0 : i32
      %scan3A_32 = arith.constant 0 : i32
      %scan3A_33 = arith.constant 8 : i32
      %scan3A_34 = arith.addi %scan3A_32, %scan3A_33 : i32
      %scan3A_35 = arith.constant 1 : i32
      scf.for %scan3A_37 = %scan3A_32 to %scan3A_34 step %scan3A_35  : i32 {
        %mul3A_38 = arith.constant 80 : i32
        %mul3A_39 = arith.muli %scan3A_37, %mul3A_38 : i32
        %add3A = arith.addi %mul3A_2, %mul3A_39 : i32
        "tpu.region"() ({
          %run_scoped3A = tpu.sem_alloc : memref<!tpu.dma_semaphore, #tpu.memory_space<semaphore_mem>>
          %dma_start3A = arith.constant 0 : i32
          %dma_start3A_40 = tpu.memref_slice %arg5[%add3A, %dma_start3A] : memref<10000x128xf32, #tpu.memory_space<vmem_shared>> -> memref<80x128xf32, #tpu.memory_space<vmem_shared>>
          %dma_start3A_41 = arith.constant 0 : i32
          %dma_start3A_42 = tpu.memref_slice %arg5[%add3A, %dma_start3A_41] : memref<10000x128xf32, #tpu.memory_space<vmem_shared>> -> memref<80x128xf32, #tpu.memory_space<vmem_shared>>
          tpu.enqueue_dma source(%arg9 : memref<80x128xf32, #tpu.memory_space<vmem>>) target(%dma_start3A_42 : memref<80x128xf32, #tpu.memory_space<vmem_shared>>) target_semaphore(%run_scoped3A : memref<!tpu.dma_semaphore, #tpu.memory_space<semaphore_mem>>)
          %dma_wait3A = arith.constant 0 : i32
          %dma_wait3A_43 = tpu.memref_slice %arg5[%add3A, %dma_wait3A] : memref<10000x128xf32, #tpu.memory_space<vmem_shared>> -> memref<80x128xf32, #tpu.memory_space<vmem_shared>>
          %dma_wait3A_44 = arith.constant 0 : i32
          %dma_wait3A_45 = tpu.memref_slice %arg5[%add3A, %dma_wait3A_44] : memref<10000x128xf32, #tpu.memory_space<vmem_shared>> -> memref<80x128xf32, #tpu.memory_space<vmem_shared>>
          tpu.wait_dma2 semaphore(%run_scoped3A : memref<!tpu.dma_semaphore, #tpu.memory_space<semaphore_mem>>) src(%arg9 : memref<80x128xf32, #tpu.memory_space<vmem>>) dst(%dma_wait3A_45 : memref<80x128xf32, #tpu.memory_space<vmem_shared>>)
          tpu.yield
        }) : () -> ()
      }
      %scan3A_36 = arith.constant 8 : i32
    } else {
    }
    %eq3A = arith.constant 15 : i32
    %eq3A_10 = arith.cmpi eq, %arg1, %eq3A : i32
    %convert_element_type3A_11 = arith.extui %eq3A_10 : i1 to i32
    %cond3A_12 = arith.constant 0 : i32
    %cond3A_13 = arith.cmpi ne, %convert_element_type3A_11, %cond3A_12 : i32
    scf.if %cond3A_13 {
      %scan3A_31 = arith.constant 0 : i32
      %scan3A_32 = arith.constant 0 : i32
      %scan3A_33 = arith.constant 5 : i32
      %scan3A_34 = arith.addi %scan3A_32, %scan3A_33 : i32
      %scan3A_35 = arith.constant 1 : i32
      scf.for %scan3A_37 = %scan3A_32 to %scan3A_34 step %scan3A_35  : i32 {
        %mul3A_38 = arith.constant 80 : i32
        %mul3A_39 = arith.muli %scan3A_37, %mul3A_38 : i32
        %add3A = arith.constant 9600 : i32
        %add3A_40 = arith.addi %add3A, %mul3A_39 : i32
        "tpu.region"() ({
          %run_scoped3A = tpu.sem_alloc : memref<!tpu.dma_semaphore, #tpu.memory_space<semaphore_mem>>
          %dma_start3A = arith.constant 0 : i32
          %dma_start3A_41 = tpu.memref_slice %arg5[%add3A_40, %dma_start3A] : memref<10000x128xf32, #tpu.memory_space<vmem_shared>> -> memref<80x128xf32, #tpu.memory_space<vmem_shared>>
          %dma_start3A_42 = arith.constant 0 : i32
          %dma_start3A_43 = tpu.memref_slice %arg5[%add3A_40, %dma_start3A_42] : memref<10000x128xf32, #tpu.memory_space<vmem_shared>> -> memref<80x128xf32, #tpu.memory_space<vmem_shared>>
          tpu.enqueue_dma source(%arg9 : memref<80x128xf32, #tpu.memory_space<vmem>>) target(%dma_start3A_43 : memref<80x128xf32, #tpu.memory_space<vmem_shared>>) target_semaphore(%run_scoped3A : memref<!tpu.dma_semaphore, #tpu.memory_space<semaphore_mem>>)
          %dma_wait3A = arith.constant 0 : i32
          %dma_wait3A_44 = tpu.memref_slice %arg5[%add3A_40, %dma_wait3A] : memref<10000x128xf32, #tpu.memory_space<vmem_shared>> -> memref<80x128xf32, #tpu.memory_space<vmem_shared>>
          %dma_wait3A_45 = arith.constant 0 : i32
          %dma_wait3A_46 = tpu.memref_slice %arg5[%add3A_40, %dma_wait3A_45] : memref<10000x128xf32, #tpu.memory_space<vmem_shared>> -> memref<80x128xf32, #tpu.memory_space<vmem_shared>>
          tpu.wait_dma2 semaphore(%run_scoped3A : memref<!tpu.dma_semaphore, #tpu.memory_space<semaphore_mem>>) src(%arg9 : memref<80x128xf32, #tpu.memory_space<vmem>>) dst(%dma_wait3A_46 : memref<80x128xf32, #tpu.memory_space<vmem_shared>>)
          tpu.yield
        }) : () -> ()
      }
      %scan3A_36 = arith.constant 5 : i32
    } else {
    }
    %barrier3A = arith.constant 0 : index
    tpu.barrier barrier_id(%barrier3A)
    %scan3A_14 = arith.constant 0 : i32
    %scan3A_15 = arith.constant 0 : i32
    %scan3A_16 = arith.constant 2 : i32
    %scan3A_17 = arith.addi %scan3A_15, %scan3A_16 : i32
    %scan3A_18 = arith.constant 1 : i32
    scf.for %scan3A_31 = %scan3A_15 to %scan3A_17 step %scan3A_18  : i32 {
      %mul3A_32 = arith.constant 20000 : i32
      %mul3A_33 = arith.muli %arg1, %mul3A_32 : i32
      %mul3A_34 = arith.constant 10000 : i32
      %mul3A_35 = arith.muli %scan3A_31, %mul3A_34 : i32
      %add3A = arith.addi %mul3A_33, %mul3A_35 : i32
      %add3A_36 = arith.constant 320000 : i32
      %add3A_37 = arith.addi %add3A_36, %add3A : i32
      "tpu.region"() ({
        %run_scoped3A = tpu.sem_alloc : memref<!tpu.dma_semaphore, #tpu.memory_space<semaphore_mem>>
        %dma_start3A_96 = tpu.memref_slice %arg3[%add3A_37] : memref<640000xi32, #tpu.memory_space<hbm>> -> memref<10000xi32, #tpu.memory_space<hbm>>
        %dma_start3A_97 = tpu.memref_slice %arg3[%add3A_37] : memref<640000xi32, #tpu.memory_space<hbm>> -> memref<10000xi32, #tpu.memory_space<hbm>>
        tpu.enqueue_dma source(%dma_start3A_97 : memref<10000xi32, #tpu.memory_space<hbm>>) target(%arg6 : memref<10000xi32, #tpu.memory_space<vmem>>) target_semaphore(%run_scoped3A : memref<!tpu.dma_semaphore, #tpu.memory_space<semaphore_mem>>)
        %dma_wait3A_98 = tpu.memref_slice %arg3[%add3A_37] : memref<640000xi32, #tpu.memory_space<hbm>> -> memref<10000xi32, #tpu.memory_space<hbm>>
        %dma_wait3A_99 = tpu.memref_slice %arg3[%add3A_37] : memref<640000xi32, #tpu.memory_space<hbm>> -> memref<10000xi32, #tpu.memory_space<hbm>>
        tpu.wait_dma2 semaphore(%run_scoped3A : memref<!tpu.dma_semaphore, #tpu.memory_space<semaphore_mem>>) src(%dma_wait3A_99 : memref<10000xi32, #tpu.memory_space<hbm>>) dst(%arg6 : memref<10000xi32, #tpu.memory_space<vmem>>)
        tpu.yield
      }) : () -> ()
      "tpu.region"() ({
        %run_scoped3A = tpu.sem_alloc : memref<!tpu.dma_semaphore, #tpu.memory_space<semaphore_mem>>
        %dma_start3A_96 = tpu.memref_slice %arg3[%add3A] : memref<640000xi32, #tpu.memory_space<hbm>> -> memref<10000xi32, #tpu.memory_space<hbm>>
        %dma_start3A_97 = tpu.memref_slice %arg3[%add3A] : memref<640000xi32, #tpu.memory_space<hbm>> -> memref<10000xi32, #tpu.memory_space<hbm>>
        tpu.enqueue_dma source(%dma_start3A_97 : memref<10000xi32, #tpu.memory_space<hbm>>) target(%arg7 : memref<10000xi32, #tpu.memory_space<vmem>>) target_semaphore(%run_scoped3A : memref<!tpu.dma_semaphore, #tpu.memory_space<semaphore_mem>>)
        %dma_wait3A_98 = tpu.memref_slice %arg3[%add3A] : memref<640000xi32, #tpu.memory_space<hbm>> -> memref<10000xi32, #tpu.memory_space<hbm>>
        %dma_wait3A_99 = tpu.memref_slice %arg3[%add3A] : memref<640000xi32, #tpu.memory_space<hbm>> -> memref<10000xi32, #tpu.memory_space<hbm>>
        tpu.wait_dma2 semaphore(%run_scoped3A : memref<!tpu.dma_semaphore, #tpu.memory_space<semaphore_mem>>) src(%dma_wait3A_99 : memref<10000xi32, #tpu.memory_space<hbm>>) dst(%arg7 : memref<10000xi32, #tpu.memory_space<vmem>>)
        tpu.yield
      }) : () -> ()
      %scan3A_38 = arith.constant 0 : i32
      %scan3A_39 = arith.constant 0 : i32
      %scan3A_40 = arith.constant 625 : i32
      %scan3A_41 = arith.addi %scan3A_39, %scan3A_40 : i32
      %scan3A_42 = arith.constant 1 : i32
      scf.for %scan3A_96 = %scan3A_39 to %scan3A_41 step %scan3A_42  : i32 {
        %mul3A_97 = arith.constant 16 : i32
        %mul3A_98 = arith.muli %scan3A_96, %mul3A_97 : i32
        %get3A_99 = arith.index_cast %mul3A_98 : i32 to index
        %get3A_100 = tpu.vector_load %arg7[%get3A_99] {strides = array<i32>} : memref<10000xi32, #tpu.memory_space<vmem>>, vector<16xi32>,
        %get3A_101 = vector.shape_cast %get3A_100 : vector<16xi32> to vector<16xi32>
        %add3A_102 = vector.broadcast %mul3A_0 : i32 to vector<16xi32>
        %add3A_103 = arith.addi %get3A_101, %add3A_102 : vector<16xi32>
        %mul3A_104 = arith.constant 16 : i32
        %mul3A_105 = arith.muli %scan3A_96, %mul3A_104 : i32
        %swap3A_106 = arith.index_cast %mul3A_105 : i32 to index
        %swap3A_107 = tpu.vector_load %arg7[%swap3A_106] {strides = array<i32>} : memref<10000xi32, #tpu.memory_space<vmem>>, vector<16xi32>,
        %swap3A_108 = vector.shape_cast %swap3A_107 : vector<16xi32> to vector<16xi32>
        %swap3A_109 = vector.shape_cast %add3A_103 : vector<16xi32> to vector<16xi32>
        tpu.vector_store %arg7[%swap3A_106], %swap3A_109 {strides = array<i32>} : memref<10000xi32, #tpu.memory_space<vmem>>, vector<16xi32>,
      }
      %scan3A_43 = arith.constant 625 : i32
      %dma_start3A = arith.constant 0 : i32
      %dma_start3A_44 = tpu.memref_slice %arg7[%dma_start3A] : memref<10000xi32, #tpu.memory_space<vmem>> -> memref<80xi32, #tpu.memory_space<vmem>>
      %dma_start3A_45 = arith.constant 0 : i32
      %dma_start3A_46 = arith.constant 0 : i32
      %dma_start3A_47 = tpu.memref_slice %arg2[%dma_start3A_45, %dma_start3A_46] : memref<20000x128xf32, #tpu.memory_space<hbm>> -> memref<20000x128xf32, #tpu.memory_space<hbm>>
      tpu.enqueue_indirect_dma source(%dma_start3A_47 : memref<20000x128xf32, #tpu.memory_space<hbm>>) target(%arg9 : memref<80x128xf32, #tpu.memory_space<vmem>>) offsets(%dma_start3A_44 : memref<80xi32, #tpu.memory_space<vmem>>) semaphore(%arg11 : memref<!tpu.dma_semaphore, #tpu.memory_space<semaphore_mem>>)
      %scan3A_48 = arith.constant 0 : i32
      %scan3A_49 = arith.constant 0 : i32
      %scan3A_50 = arith.constant 62 : i32
      %scan3A_51 = arith.addi %scan3A_49, %scan3A_50 : i32
      %scan3A_52 = arith.constant 1 : i32
      scf.for %scan3A_96 = %scan3A_49 to %scan3A_51 step %scan3A_52  : i32 {
        %mul3A_97 = arith.constant 2 : i32
        %mul3A_98 = arith.muli %mul3A_97, %scan3A_96 : i32
        %add3A_99 = arith.constant 1 : i32
        %add3A_100 = arith.addi %mul3A_98, %add3A_99 : i32
        %mul3A_101 = arith.constant 80 : i32
        %mul3A_102 = arith.muli %add3A_100, %mul3A_101 : i32
        %dma_start3A_103 = tpu.memref_slice %arg7[%mul3A_102] : memref<10000xi32, #tpu.memory_space<vmem>> -> memref<80xi32, #tpu.memory_space<vmem>>
        %dma_start3A_104 = arith.constant 0 : i32
        %dma_start3A_105 = arith.constant 0 : i32
        %dma_start3A_106 = tpu.memref_slice %arg2[%dma_start3A_104, %dma_start3A_105] : memref<20000x128xf32, #tpu.memory_space<hbm>> -> memref<20000x128xf32, #tpu.memory_space<hbm>>
        tpu.enqueue_indirect_dma source(%dma_start3A_106 : memref<20000x128xf32, #tpu.memory_space<hbm>>) target(%arg10 : memref<80x128xf32, #tpu.memory_space<vmem>>) offsets(%dma_start3A_103 : memref<80xi32, #tpu.memory_space<vmem>>) semaphore(%arg12 : memref<!tpu.dma_semaphore, #tpu.memory_space<semaphore_mem>>)
        %mul3A_107 = arith.constant 80 : i32
        %mul3A_108 = arith.muli %mul3A_98, %mul3A_107 : i32
        %add3A_109 = arith.constant 0 : i32
        %add3A_110 = arith.addi %mul3A_108, %add3A_109 : i32
        %get3A_111 = arith.index_cast %add3A_110 : i32 to index
        %get3A_112 = tpu.vector_load %arg6[%get3A_111] {strides = array<i32>} : memref<10000xi32, #tpu.memory_space<vmem>>, vector<16xi32>,
        %get3A_113 = vector.shape_cast %get3A_112 : vector<16xi32> to vector<16xi32>
        %swap3A_114 = arith.constant 0 : index
        %swap3A_115 = tpu.vector_load %arg8[%swap3A_114] {strides = array<i32>} : memref<80xi32, #tpu.memory_space<vmem>>, vector<16xi32>,
        %swap3A_116 = vector.shape_cast %swap3A_115 : vector<16xi32> to vector<16xi32>
        %swap3A_117 = vector.shape_cast %get3A_113 : vector<16xi32> to vector<16xi32>
        tpu.vector_store %arg8[%swap3A_114], %swap3A_117 {strides = array<i32>} : memref<80xi32, #tpu.memory_space<vmem>>, vector<16xi32>,
        %mul3A_118 = arith.constant 80 : i32
        %mul3A_119 = arith.muli %mul3A_98, %mul3A_118 : i32
        %add3A_120 = arith.constant 16 : i32
        %add3A_121 = arith.addi %mul3A_119, %add3A_120 : i32
        %get3A_122 = arith.index_cast %add3A_121 : i32 to index
        %get3A_123 = tpu.vector_load %arg6[%get3A_122] {strides = array<i32>} : memref<10000xi32, #tpu.memory_space<vmem>>, vector<16xi32>,
        %get3A_124 = vector.shape_cast %get3A_123 : vector<16xi32> to vector<16xi32>
        %swap3A_125 = arith.constant 16 : index
        %swap3A_126 = tpu.vector_load %arg8[%swap3A_125] {strides = array<i32>} : memref<80xi32, #tpu.memory_space<vmem>>, vector<16xi32>,
        %swap3A_127 = vector.shape_cast %swap3A_126 : vector<16xi32> to vector<16xi32>
        %swap3A_128 = vector.shape_cast %get3A_124 : vector<16xi32> to vector<16xi32>
        tpu.vector_store %arg8[%swap3A_125], %swap3A_128 {strides = array<i32>} : memref<80xi32, #tpu.memory_space<vmem>>, vector<16xi32>,
        %mul3A_129 = arith.constant 80 : i32
        %mul3A_130 = arith.muli %mul3A_98, %mul3A_129 : i32
        %add3A_131 = arith.constant 32 : i32
        %add3A_132 = arith.addi %mul3A_130, %add3A_131 : i32
        %get3A_133 = arith.index_cast %add3A_132 : i32 to index
        %get3A_134 = tpu.vector_load %arg6[%get3A_133] {strides = array<i32>} : memref<10000xi32, #tpu.memory_space<vmem>>, vector<16xi32>,
        %get3A_135 = vector.shape_cast %get3A_134 : vector<16xi32> to vector<16xi32>
        %swap3A_136 = arith.constant 32 : index
        %swap3A_137 = tpu.vector_load %arg8[%swap3A_136] {strides = array<i32>} : memref<80xi32, #tpu.memory_space<vmem>>, vector<16xi32>,
        %swap3A_138 = vector.shape_cast %swap3A_137 : vector<16xi32> to vector<16xi32>
        %swap3A_139 = vector.shape_cast %get3A_135 : vector<16xi32> to vector<16xi32>
        tpu.vector_store %arg8[%swap3A_136], %swap3A_139 {strides = array<i32>} : memref<80xi32, #tpu.memory_space<vmem>>, vector<16xi32>,
        %mul3A_140 = arith.constant 80 : i32
        %mul3A_141 = arith.muli %mul3A_98, %mul3A_140 : i32
        %add3A_142 = arith.constant 48 : i32
        %add3A_143 = arith.addi %mul3A_141, %add3A_142 : i32
        %get3A_144 = arith.index_cast %add3A_143 : i32 to index
        %get3A_145 = tpu.vector_load %arg6[%get3A_144] {strides = array<i32>} : memref<10000xi32, #tpu.memory_space<vmem>>, vector<16xi32>,
        %get3A_146 = vector.shape_cast %get3A_145 : vector<16xi32> to vector<16xi32>
        %swap3A_147 = arith.constant 48 : index
        %swap3A_148 = tpu.vector_load %arg8[%swap3A_147] {strides = array<i32>} : memref<80xi32, #tpu.memory_space<vmem>>, vector<16xi32>,
        %swap3A_149 = vector.shape_cast %swap3A_148 : vector<16xi32> to vector<16xi32>
        %swap3A_150 = vector.shape_cast %get3A_146 : vector<16xi32> to vector<16xi32>
        tpu.vector_store %arg8[%swap3A_147], %swap3A_150 {strides = array<i32>} : memref<80xi32, #tpu.memory_space<vmem>>, vector<16xi32>,
        %mul3A_151 = arith.constant 80 : i32
        %mul3A_152 = arith.muli %mul3A_98, %mul3A_151 : i32
        %add3A_153 = arith.constant 64 : i32
        %add3A_154 = arith.addi %mul3A_152, %add3A_153 : i32
        %get3A_155 = arith.index_cast %add3A_154 : i32 to index
        %get3A_156 = tpu.vector_load %arg6[%get3A_155] {strides = array<i32>} : memref<10000xi32, #tpu.memory_space<vmem>>, vector<16xi32>,
        %get3A_157 = vector.shape_cast %get3A_156 : vector<16xi32> to vector<16xi32>
        %swap3A_158 = arith.constant 64 : index
        %swap3A_159 = tpu.vector_load %arg8[%swap3A_158] {strides = array<i32>} : memref<80xi32, #tpu.memory_space<vmem>>, vector<16xi32>,
        %swap3A_160 = vector.shape_cast %swap3A_159 : vector<16xi32> to vector<16xi32>
        %swap3A_161 = vector.shape_cast %get3A_157 : vector<16xi32> to vector<16xi32>
        tpu.vector_store %arg8[%swap3A_158], %swap3A_161 {strides = array<i32>} : memref<80xi32, #tpu.memory_space<vmem>>, vector<16xi32>,
        %mul3A_162 = arith.constant 80 : i32
        %mul3A_163 = arith.muli %mul3A_98, %mul3A_162 : i32
        %dma_wait3A_164 = tpu.memref_slice %arg7[%mul3A_163] : memref<10000xi32, #tpu.memory_space<vmem>> -> memref<80xi32, #tpu.memory_space<vmem>>
        %dma_wait3A_165 = arith.constant 0 : i32
        %dma_wait3A_166 = arith.constant 0 : i32
        %dma_wait3A_167 = tpu.memref_slice %arg2[%dma_wait3A_165, %dma_wait3A_166] : memref<20000x128xf32, #tpu.memory_space<hbm>> -> memref<20000x128xf32, #tpu.memory_space<hbm>>
        tpu.wait_indirect_dma semaphore(%arg11 : memref<!tpu.dma_semaphore, #tpu.memory_space<semaphore_mem>>) src(%dma_wait3A_167 : memref<20000x128xf32, #tpu.memory_space<hbm>>) dst(%arg9 : memref<80x128xf32, #tpu.memory_space<vmem>>)
        "tpu.region"() ({
          %run_scoped3A = tpu.sem_alloc : memref<!tpu.dma_semaphore, #tpu.memory_space<semaphore_mem>>
          %dma_start3A_234 = arith.constant 0 : i32
          %dma_start3A_235 = arith.constant 0 : i32
          %dma_start3A_236 = tpu.memref_slice %arg5[%dma_start3A_234, %dma_start3A_235] : memref<10000x128xf32, #tpu.memory_space<vmem_shared>> -> memref<10000x128xf32, #tpu.memory_space<vmem_shared>>
          tpu.enqueue_indirect_dma source(%arg9 : memref<80x128xf32, #tpu.memory_space<vmem>>) target(%dma_start3A_236 : memref<10000x128xf32, #tpu.memory_space<vmem_shared>>) offsets(%arg8 : memref<80xi32, #tpu.memory_space<vmem>>) semaphore(%run_scoped3A : memref<!tpu.dma_semaphore, #tpu.memory_space<semaphore_mem>>) {add = true}
          %dma_wait3A_237 = arith.constant 0 : i32
          %dma_wait3A_238 = arith.constant 0 : i32
          %dma_wait3A_239 = tpu.memref_slice %arg5[%dma_wait3A_237, %dma_wait3A_238] : memref<10000x128xf32, #tpu.memory_space<vmem_shared>> -> memref<10000x128xf32, #tpu.memory_space<vmem_shared>>
          tpu.wait_indirect_dma semaphore(%run_scoped3A : memref<!tpu.dma_semaphore, #tpu.memory_space<semaphore_mem>>) src(%arg9 : memref<80x128xf32, #tpu.memory_space<vmem>>) dst(%dma_wait3A_239 : memref<10000x128xf32, #tpu.memory_space<vmem_shared>>)
          tpu.yield
        }) : () -> ()
        %lt3A_168 = arith.constant 61 : i32
        %lt3A_169 = arith.cmpi slt, %scan3A_96, %lt3A_168 : i32
        %convert_element_type3A_170 = arith.extui %lt3A_169 : i1 to i32
        %cond3A_171 = arith.constant 0 : i32
        %cond3A_172 = arith.cmpi ne, %convert_element_type3A_170, %cond3A_171 : i32
        scf.if %cond3A_172 {
          %add3A_234 = arith.constant 2 : i32
          %add3A_235 = arith.addi %mul3A_98, %add3A_234 : i32
          %mul3A_236 = arith.constant 80 : i32
          %mul3A_237 = arith.muli %add3A_235, %mul3A_236 : i32
          %dma_start3A_238 = tpu.memref_slice %arg7[%mul3A_237] : memref<10000xi32, #tpu.memory_space<vmem>> -> memref<80xi32, #tpu.memory_space<vmem>>
          %dma_start3A_239 = arith.constant 0 : i32
          %dma_start3A_240 = arith.constant 0 : i32
          %dma_start3A_241 = tpu.memref_slice %arg2[%dma_start3A_239, %dma_start3A_240] : memref<20000x128xf32, #tpu.memory_space<hbm>> -> memref<20000x128xf32, #tpu.memory_space<hbm>>
          tpu.enqueue_indirect_dma source(%dma_start3A_241 : memref<20000x128xf32, #tpu.memory_space<hbm>>) target(%arg9 : memref<80x128xf32, #tpu.memory_space<vmem>>) offsets(%dma_start3A_238 : memref<80xi32, #tpu.memory_space<vmem>>) semaphore(%arg11 : memref<!tpu.dma_semaphore, #tpu.memory_space<semaphore_mem>>)
        } else {
        }
        %mul3A_173 = arith.constant 80 : i32
        %mul3A_174 = arith.muli %add3A_100, %mul3A_173 : i32
        %add3A_175 = arith.constant 0 : i32
        %add3A_176 = arith.addi %mul3A_174, %add3A_175 : i32
        %get3A_177 = arith.index_cast %add3A_176 : i32 to index
        %get3A_178 = tpu.vector_load %arg6[%get3A_177] {strides = array<i32>} : memref<10000xi32, #tpu.memory_space<vmem>>, vector<16xi32>,
        %get3A_179 = vector.shape_cast %get3A_178 : vector<16xi32> to vector<16xi32>
        %swap3A_180 = arith.constant 0 : index
        %swap3A_181 = tpu.vector_load %arg8[%swap3A_180] {strides = array<i32>} : memref<80xi32, #tpu.memory_space<vmem>>, vector<16xi32>,
        %swap3A_182 = vector.shape_cast %swap3A_181 : vector<16xi32> to vector<16xi32>
        %swap3A_183 = vector.shape_cast %get3A_179 : vector<16xi32> to vector<16xi32>
        tpu.vector_store %arg8[%swap3A_180], %swap3A_183 {strides = array<i32>} : memref<80xi32, #tpu.memory_space<vmem>>, vector<16xi32>,
        %mul3A_184 = arith.constant 80 : i32
        %mul3A_185 = arith.muli %add3A_100, %mul3A_184 : i32
        %add3A_186 = arith.constant 16 : i32
        %add3A_187 = arith.addi %mul3A_185, %add3A_186 : i32
        %get3A_188 = arith.index_cast %add3A_187 : i32 to index
        %get3A_189 = tpu.vector_load %arg6[%get3A_188] {strides = array<i32>} : memref<10000xi32, #tpu.memory_space<vmem>>, vector<16xi32>,
        %get3A_190 = vector.shape_cast %get3A_189 : vector<16xi32> to vector<16xi32>
        %swap3A_191 = arith.constant 16 : index
        %swap3A_192 = tpu.vector_load %arg8[%swap3A_191] {strides = array<i32>} : memref<80xi32, #tpu.memory_space<vmem>>, vector<16xi32>,
        %swap3A_193 = vector.shape_cast %swap3A_192 : vector<16xi32> to vector<16xi32>
        %swap3A_194 = vector.shape_cast %get3A_190 : vector<16xi32> to vector<16xi32>
        tpu.vector_store %arg8[%swap3A_191], %swap3A_194 {strides = array<i32>} : memref<80xi32, #tpu.memory_space<vmem>>, vector<16xi32>,
        %mul3A_195 = arith.constant 80 : i32
        %mul3A_196 = arith.muli %add3A_100, %mul3A_195 : i32
        %add3A_197 = arith.constant 32 : i32
        %add3A_198 = arith.addi %mul3A_196, %add3A_197 : i32
        %get3A_199 = arith.index_cast %add3A_198 : i32 to index
        %get3A_200 = tpu.vector_load %arg6[%get3A_199] {strides = array<i32>} : memref<10000xi32, #tpu.memory_space<vmem>>, vector<16xi32>,
        %get3A_201 = vector.shape_cast %get3A_200 : vector<16xi32> to vector<16xi32>
        %swap3A_202 = arith.constant 32 : index
        %swap3A_203 = tpu.vector_load %arg8[%swap3A_202] {strides = array<i32>} : memref<80xi32, #tpu.memory_space<vmem>>, vector<16xi32>,
        %swap3A_204 = vector.shape_cast %swap3A_203 : vector<16xi32> to vector<16xi32>
        %swap3A_205 = vector.shape_cast %get3A_201 : vector<16xi32> to vector<16xi32>
        tpu.vector_store %arg8[%swap3A_202], %swap3A_205 {strides = array<i32>} : memref<80xi32, #tpu.memory_space<vmem>>, vector<16xi32>,
        %mul3A_206 = arith.constant 80 : i32
        %mul3A_207 = arith.muli %add3A_100, %mul3A_206 : i32
        %add3A_208 = arith.constant 48 : i32
        %add3A_209 = arith.addi %mul3A_207, %add3A_208 : i32
        %get3A_210 = arith.index_cast %add3A_209 : i32 to index
        %get3A_211 = tpu.vector_load %arg6[%get3A_210] {strides = array<i32>} : memref<10000xi32, #tpu.memory_space<vmem>>, vector<16xi32>,
        %get3A_212 = vector.shape_cast %get3A_211 : vector<16xi32> to vector<16xi32>
        %swap3A_213 = arith.constant 48 : index
        %swap3A_214 = tpu.vector_load %arg8[%swap3A_213] {strides = array<i32>} : memref<80xi32, #tpu.memory_space<vmem>>, vector<16xi32>,
        %swap3A_215 = vector.shape_cast %swap3A_214 : vector<16xi32> to vector<16xi32>
        %swap3A_216 = vector.shape_cast %get3A_212 : vector<16xi32> to vector<16xi32>
        tpu.vector_store %arg8[%swap3A_213], %swap3A_216 {strides = array<i32>} : memref<80xi32, #tpu.memory_space<vmem>>, vector<16xi32>,
        %mul3A_217 = arith.constant 80 : i32
        %mul3A_218 = arith.muli %add3A_100, %mul3A_217 : i32
        %add3A_219 = arith.constant 64 : i32
        %add3A_220 = arith.addi %mul3A_218, %add3A_219 : i32
        %get3A_221 = arith.index_cast %add3A_220 : i32 to index
        %get3A_222 = tpu.vector_load %arg6[%get3A_221] {strides = array<i32>} : memref<10000xi32, #tpu.memory_space<vmem>>, vector<16xi32>,
        %get3A_223 = vector.shape_cast %get3A_222 : vector<16xi32> to vector<16xi32>
        %swap3A_224 = arith.constant 64 : index
        %swap3A_225 = tpu.vector_load %arg8[%swap3A_224] {strides = array<i32>} : memref<80xi32, #tpu.memory_space<vmem>>, vector<16xi32>,
        %swap3A_226 = vector.shape_cast %swap3A_225 : vector<16xi32> to vector<16xi32>
        %swap3A_227 = vector.shape_cast %get3A_223 : vector<16xi32> to vector<16xi32>
        tpu.vector_store %arg8[%swap3A_224], %swap3A_227 {strides = array<i32>} : memref<80xi32, #tpu.memory_space<vmem>>, vector<16xi32>,
        %mul3A_228 = arith.constant 80 : i32
        %mul3A_229 = arith.muli %add3A_100, %mul3A_228 : i32
        %dma_wait3A_230 = tpu.memref_slice %arg7[%mul3A_229] : memref<10000xi32, #tpu.memory_space<vmem>> -> memref<80xi32, #tpu.memory_space<vmem>>
        %dma_wait3A_231 = arith.constant 0 : i32
        %dma_wait3A_232 = arith.constant 0 : i32
        %dma_wait3A_233 = tpu.memref_slice %arg2[%dma_wait3A_231, %dma_wait3A_232] : memref<20000x128xf32, #tpu.memory_space<hbm>> -> memref<20000x128xf32, #tpu.memory_space<hbm>>
        tpu.wait_indirect_dma semaphore(%arg12 : memref<!tpu.dma_semaphore, #tpu.memory_space<semaphore_mem>>) src(%dma_wait3A_233 : memref<20000x128xf32, #tpu.memory_space<hbm>>) dst(%arg10 : memref<80x128xf32, #tpu.memory_space<vmem>>)
        "tpu.region"() ({
          %run_scoped3A = tpu.sem_alloc : memref<!tpu.dma_semaphore, #tpu.memory_space<semaphore_mem>>
          %dma_start3A_234 = arith.constant 0 : i32
          %dma_start3A_235 = arith.constant 0 : i32
          %dma_start3A_236 = tpu.memref_slice %arg5[%dma_start3A_234, %dma_start3A_235] : memref<10000x128xf32, #tpu.memory_space<vmem_shared>> -> memref<10000x128xf32, #tpu.memory_space<vmem_shared>>
          tpu.enqueue_indirect_dma source(%arg10 : memref<80x128xf32, #tpu.memory_space<vmem>>) target(%dma_start3A_236 : memref<10000x128xf32, #tpu.memory_space<vmem_shared>>) offsets(%arg8 : memref<80xi32, #tpu.memory_space<vmem>>) semaphore(%run_scoped3A : memref<!tpu.dma_semaphore, #tpu.memory_space<semaphore_mem>>) {add = true}
          %dma_wait3A_237 = arith.constant 0 : i32
          %dma_wait3A_238 = arith.constant 0 : i32
          %dma_wait3A_239 = tpu.memref_slice %arg5[%dma_wait3A_237, %dma_wait3A_238] : memref<10000x128xf32, #tpu.memory_space<vmem_shared>> -> memref<10000x128xf32, #tpu.memory_space<vmem_shared>>
          tpu.wait_indirect_dma semaphore(%run_scoped3A : memref<!tpu.dma_semaphore, #tpu.memory_space<semaphore_mem>>) src(%arg10 : memref<80x128xf32, #tpu.memory_space<vmem>>) dst(%dma_wait3A_239 : memref<10000x128xf32, #tpu.memory_space<vmem_shared>>)
          tpu.yield
        }) : () -> ()
      }
      %scan3A_53 = arith.constant 62 : i32
      %dma_start3A_54 = arith.constant 9920 : i32
      %dma_start3A_55 = tpu.memref_slice %arg7[%dma_start3A_54] : memref<10000xi32, #tpu.memory_space<vmem>> -> memref<80xi32, #tpu.memory_space<vmem>>
      %dma_start3A_56 = arith.constant 0 : i32
      %dma_start3A_57 = arith.constant 0 : i32
      %dma_start3A_58 = tpu.memref_slice %arg2[%dma_start3A_56, %dma_start3A_57] : memref<20000x128xf32, #tpu.memory_space<hbm>> -> memref<20000x128xf32, #tpu.memory_space<hbm>>
      tpu.enqueue_indirect_dma source(%dma_start3A_58 : memref<20000x128xf32, #tpu.memory_space<hbm>>) target(%arg9 : memref<80x128xf32, #tpu.memory_space<vmem>>) offsets(%dma_start3A_55 : memref<80xi32, #tpu.memory_space<vmem>>) semaphore(%arg11 : memref<!tpu.dma_semaphore, #tpu.memory_space<semaphore_mem>>)
      %get3A = arith.constant 9920 : index
      %get3A_59 = tpu.vector_load %arg6[%get3A] {strides = array<i32>} : memref<10000xi32, #tpu.memory_space<vmem>>, vector<16xi32>,
      %get3A_60 = vector.shape_cast %get3A_59 : vector<16xi32> to vector<16xi32>
      %swap3A = arith.constant 0 : index
      %swap3A_61 = tpu.vector_load %arg8[%swap3A] {strides = array<i32>} : memref<80xi32, #tpu.memory_space<vmem>>, vector<16xi32>,
      %swap3A_62 = vector.shape_cast %swap3A_61 : vector<16xi32> to vector<16xi32>
      %swap3A_63 = vector.shape_cast %get3A_60 : vector<16xi32> to vector<16xi32>
      tpu.vector_store %arg8[%swap3A], %swap3A_63 {strides = array<i32>} : memref<80xi32, #tpu.memory_space<vmem>>, vector<16xi32>,
      %get3A_64 = arith.constant 9936 : index
      %get3A_65 = tpu.vector_load %arg6[%get3A_64] {strides = array<i32>} : memref<10000xi32, #tpu.memory_space<vmem>>, vector<16xi32>,
      %get3A_66 = vector.shape_cast %get3A_65 : vector<16xi32> to vector<16xi32>
      %swap3A_67 = arith.constant 16 : index
      %swap3A_68 = tpu.vector_load %arg8[%swap3A_67] {strides = array<i32>} : memref<80xi32, #tpu.memory_space<vmem>>, vector<16xi32>,
      %swap3A_69 = vector.shape_cast %swap3A_68 : vector<16xi32> to vector<16xi32>
      %swap3A_70 = vector.shape_cast %get3A_66 : vector<16xi32> to vector<16xi32>
      tpu.vector_store %arg8[%swap3A_67], %swap3A_70 {strides = array<i32>} : memref<80xi32, #tpu.memory_space<vmem>>, vector<16xi32>,
      %get3A_71 = arith.constant 9952 : index
      %get3A_72 = tpu.vector_load %arg6[%get3A_71] {strides = array<i32>} : memref<10000xi32, #tpu.memory_space<vmem>>, vector<16xi32>,
      %get3A_73 = vector.shape_cast %get3A_72 : vector<16xi32> to vector<16xi32>
      %swap3A_74 = arith.constant 32 : index
      %swap3A_75 = tpu.vector_load %arg8[%swap3A_74] {strides = array<i32>} : memref<80xi32, #tpu.memory_space<vmem>>, vector<16xi32>,
      %swap3A_76 = vector.shape_cast %swap3A_75 : vector<16xi32> to vector<16xi32>
      %swap3A_77 = vector.shape_cast %get3A_73 : vector<16xi32> to vector<16xi32>
      tpu.vector_store %arg8[%swap3A_74], %swap3A_77 {strides = array<i32>} : memref<80xi32, #tpu.memory_space<vmem>>, vector<16xi32>,
      %get3A_78 = arith.constant 9968 : index
      %get3A_79 = tpu.vector_load %arg6[%get3A_78] {strides = array<i32>} : memref<10000xi32, #tpu.memory_space<vmem>>, vector<16xi32>,
      %get3A_80 = vector.shape_cast %get3A_79 : vector<16xi32> to vector<16xi32>
      %swap3A_81 = arith.constant 48 : index
      %swap3A_82 = tpu.vector_load %arg8[%swap3A_81] {strides = array<i32>} : memref<80xi32, #tpu.memory_space<vmem>>, vector<16xi32>,
      %swap3A_83 = vector.shape_cast %swap3A_82 : vector<16xi32> to vector<16xi32>
      %swap3A_84 = vector.shape_cast %get3A_80 : vector<16xi32> to vector<16xi32>
      tpu.vector_store %arg8[%swap3A_81], %swap3A_84 {strides = array<i32>} : memref<80xi32, #tpu.memory_space<vmem>>, vector<16xi32>,
      %get3A_85 = arith.constant 9984 : index
      %get3A_86 = tpu.vector_load %arg6[%get3A_85] {strides = array<i32>} : memref<10000xi32, #tpu.memory_space<vmem>>, vector<16xi32>,
      %get3A_87 = vector.shape_cast %get3A_86 : vector<16xi32> to vector<16xi32>
      %swap3A_88 = arith.constant 64 : index
      %swap3A_89 = tpu.vector_load %arg8[%swap3A_88] {strides = array<i32>} : memref<80xi32, #tpu.memory_space<vmem>>, vector<16xi32>,
      %swap3A_90 = vector.shape_cast %swap3A_89 : vector<16xi32> to vector<16xi32>
      %swap3A_91 = vector.shape_cast %get3A_87 : vector<16xi32> to vector<16xi32>
      tpu.vector_store %arg8[%swap3A_88], %swap3A_91 {strides = array<i32>} : memref<80xi32, #tpu.memory_space<vmem>>, vector<16xi32>,
      %dma_wait3A = arith.constant 9920 : i32
      %dma_wait3A_92 = tpu.memref_slice %arg7[%dma_wait3A] : memref<10000xi32, #tpu.memory_space<vmem>> -> memref<80xi32, #tpu.memory_space<vmem>>
      %dma_wait3A_93 = arith.constant 0 : i32
      %dma_wait3A_94 = arith.constant 0 : i32
      %dma_wait3A_95 = tpu.memref_slice %arg2[%dma_wait3A_93, %dma_wait3A_94] : memref<20000x128xf32, #tpu.memory_space<hbm>> -> memref<20000x128xf32, #tpu.memory_space<hbm>>
      tpu.wait_indirect_dma semaphore(%arg11 : memref<!tpu.dma_semaphore, #tpu.memory_space<semaphore_mem>>) src(%dma_wait3A_95 : memref<20000x128xf32, #tpu.memory_space<hbm>>) dst(%arg9 : memref<80x128xf32, #tpu.memory_space<vmem>>)
      "tpu.region"() ({
        %run_scoped3A = tpu.sem_alloc : memref<!tpu.dma_semaphore, #tpu.memory_space<semaphore_mem>>
        %dma_start3A_96 = arith.constant 0 : i32
        %dma_start3A_97 = arith.constant 0 : i32
        %dma_start3A_98 = tpu.memref_slice %arg5[%dma_start3A_96, %dma_start3A_97] : memref<10000x128xf32, #tpu.memory_space<vmem_shared>> -> memref<10000x128xf32, #tpu.memory_space<vmem_shared>>
        tpu.enqueue_indirect_dma source(%arg9 : memref<80x128xf32, #tpu.memory_space<vmem>>) target(%dma_start3A_98 : memref<10000x128xf32, #tpu.memory_space<vmem_shared>>) offsets(%arg8 : memref<80xi32, #tpu.memory_space<vmem>>) semaphore(%run_scoped3A : memref<!tpu.dma_semaphore, #tpu.memory_space<semaphore_mem>>) {add = true}
        %dma_wait3A_99 = arith.constant 0 : i32
        %dma_wait3A_100 = arith.constant 0 : i32
        %dma_wait3A_101 = tpu.memref_slice %arg5[%dma_wait3A_99, %dma_wait3A_100] : memref<10000x128xf32, #tpu.memory_space<vmem_shared>> -> memref<10000x128xf32, #tpu.memory_space<vmem_shared>>
        tpu.wait_indirect_dma semaphore(%run_scoped3A : memref<!tpu.dma_semaphore, #tpu.memory_space<semaphore_mem>>) src(%arg9 : memref<80x128xf32, #tpu.memory_space<vmem>>) dst(%dma_wait3A_101 : memref<10000x128xf32, #tpu.memory_space<vmem_shared>>)
        tpu.yield
      }) : () -> ()
    }
    %scan3A_19 = arith.constant 2 : i32
    %barrier3A_20 = arith.constant 0 : index
    tpu.barrier barrier_id(%barrier3A_20)
    %lt3A_21 = arith.constant 15 : i32
    %lt3A_22 = arith.cmpi slt, %arg1, %lt3A_21 : i32
    %convert_element_type3A_23 = arith.extui %lt3A_22 : i1 to i32
    %cond3A_24 = arith.constant 0 : i32
    %cond3A_25 = arith.cmpi ne, %convert_element_type3A_23, %cond3A_24 : i32
    scf.if %cond3A_25 {
      %add3A = arith.addi %mul3A_0, %mul3A_2 : i32
      "tpu.region"() ({
        %run_scoped3A = tpu.sem_alloc : memref<!tpu.dma_semaphore, #tpu.memory_space<semaphore_mem>>
        %dma_start3A = arith.constant 0 : i32
        %dma_start3A_31 = tpu.memref_slice %arg4[%add3A, %dma_start3A] : memref<20000x128xf32, #tpu.memory_space<hbm>> -> memref<640x128xf32, #tpu.memory_space<hbm>>
        %dma_start3A_32 = arith.constant 0 : i32
        %dma_start3A_33 = tpu.memref_slice %arg5[%mul3A_2, %dma_start3A_32] : memref<10000x128xf32, #tpu.memory_space<vmem_shared>> -> memref<640x128xf32, #tpu.memory_space<vmem_shared>>
        tpu.enqueue_dma source(%dma_start3A_33 : memref<640x128xf32, #tpu.memory_space<vmem_shared>>) target(%dma_start3A_31 : memref<640x128xf32, #tpu.memory_space<hbm>>) target_semaphore(%run_scoped3A : memref<!tpu.dma_semaphore, #tpu.memory_space<semaphore_mem>>)
        %dma_wait3A = arith.constant 0 : i32
        %dma_wait3A_34 = tpu.memref_slice %arg4[%add3A, %dma_wait3A] : memref<20000x128xf32, #tpu.memory_space<hbm>> -> memref<640x128xf32, #tpu.memory_space<hbm>>
        %dma_wait3A_35 = arith.constant 0 : i32
        %dma_wait3A_36 = tpu.memref_slice %arg5[%mul3A_2, %dma_wait3A_35] : memref<10000x128xf32, #tpu.memory_space<vmem_shared>> -> memref<640x128xf32, #tpu.memory_space<vmem_shared>>
        tpu.wait_dma2 semaphore(%run_scoped3A : memref<!tpu.dma_semaphore, #tpu.memory_space<semaphore_mem>>) src(%dma_wait3A_36 : memref<640x128xf32, #tpu.memory_space<vmem_shared>>) dst(%dma_wait3A_34 : memref<640x128xf32, #tpu.memory_space<hbm>>)
        tpu.yield
      }) : () -> ()
    } else {
    }
    %eq3A_26 = arith.constant 15 : i32
    %eq3A_27 = arith.cmpi eq, %arg1, %eq3A_26 : i32
    %convert_element_type3A_28 = arith.extui %eq3A_27 : i1 to i32
    %cond3A_29 = arith.constant 0 : i32
    %cond3A_30 = arith.cmpi ne, %convert_element_type3A_28, %cond3A_29 : i32
    scf.if %cond3A_30 {
      %add3A = arith.constant 9600 : i32
      %add3A_31 = arith.addi %mul3A_0, %add3A : i32
      "tpu.region"() ({
        %run_scoped3A = tpu.sem_alloc : memref<!tpu.dma_semaphore, #tpu.memory_space<semaphore_mem>>
        %dma_start3A = arith.constant 0 : i32
        %dma_start3A_32 = tpu.memref_slice %arg4[%add3A_31, %dma_start3A] : memref<20000x128xf32, #tpu.memory_space<hbm>> -> memref<400x128xf32, #tpu.memory_space<hbm>>
        %dma_start3A_33 = arith.constant 9600 : i32
        %dma_start3A_34 = arith.constant 0 : i32
        %dma_start3A_35 = tpu.memref_slice %arg5[%dma_start3A_33, %dma_start3A_34] : memref<10000x128xf32, #tpu.memory_space<vmem_shared>> -> memref<400x128xf32, #tpu.memory_space<vmem_shared>>
        tpu.enqueue_dma source(%dma_start3A_35 : memref<400x128xf32, #tpu.memory_space<vmem_shared>>) target(%dma_start3A_32 : memref<400x128xf32, #tpu.memory_space<hbm>>) target_semaphore(%run_scoped3A : memref<!tpu.dma_semaphore, #tpu.memory_space<semaphore_mem>>)
        %dma_wait3A = arith.constant 0 : i32
        %dma_wait3A_36 = tpu.memref_slice %arg4[%add3A_31, %dma_wait3A] : memref<20000x128xf32, #tpu.memory_space<hbm>> -> memref<400x128xf32, #tpu.memory_space<hbm>>
        %dma_wait3A_37 = arith.constant 9600 : i32
        %dma_wait3A_38 = arith.constant 0 : i32
        %dma_wait3A_39 = tpu.memref_slice %arg5[%dma_wait3A_37, %dma_wait3A_38] : memref<10000x128xf32, #tpu.memory_space<vmem_shared>> -> memref<400x128xf32, #tpu.memory_space<vmem_shared>>
        tpu.wait_dma2 semaphore(%run_scoped3A : memref<!tpu.dma_semaphore, #tpu.memory_space<semaphore_mem>>) src(%dma_wait3A_39 : memref<400x128xf32, #tpu.memory_space<vmem_shared>>) dst(%dma_wait3A_36 : memref<400x128xf32, #tpu.memory_space<hbm>>)
        tpu.yield
      }) : () -> ()
    } else {
    }
    return
  }
}

#map = affine_map<(d0, d1) -> (0, 0)>
#map1 = affine_map<(d0, d1) -> (0)>
module attributes {stable_mosaic.version = 14 : i64} {
  func.func @_edge_body(%arg0: i32, %arg1: i32, %arg2: memref<20000x128xf32, #tpu.memory_space<hbm>>, %arg3: memref<640000xi32, #tpu.memory_space<hbm>>, %arg4: memref<20000x128xf32, #tpu.memory_space<hbm>>, %arg5: memref<10000x128xf32, #tpu.memory_space<vmem_shared>>, %arg6: memref<10000xi32, #tpu.memory_space<vmem>>, %arg7: memref<10000xi32, #tpu.memory_space<vmem>>, %arg8: memref<80xi32, #tpu.memory_space<vmem>>, %arg9: memref<80x128xf32, #tpu.memory_space<vmem>>, %arg10: memref<80x128xf32, #tpu.memory_space<vmem>>, %arg11: memref<!tpu.dma_semaphore, #tpu.memory_space<semaphore_mem>>, %arg12: memref<!tpu.dma_semaphore, #tpu.memory_space<semaphore_mem>>) attributes {dimension_semantics = [#tpu.dimension_semantics<core_parallel>, #tpu.dimension_semantics<subcore_parallel>], iteration_bounds = array<i64: 2, 16>, scalar_prefetch = 0 : i64, scratch_operands = 8 : i64, tpu.core_type = #tpu.core_type<sc_vector_subcore>, window_params = [{transform_indices = #map}, {transform_indices = #map1}, {transform_indices = #map}]} {
    %mul3A = arith.constant 10000 : i32
    %mul3A_0 = arith.muli %arg0, %mul3A : i32
    %mul3A_1 = arith.constant 640 : i32
    %mul3A_2 = arith.muli %arg1, %mul3A_1 : i32
    %scan3A = arith.constant 0 : i32
    %scan3A_3 = arith.constant 0 : i32
    %scan3A_4 = arith.constant 80 : i32
    %scan3A_5 = arith.addi %scan3A_3, %scan3A_4 : i32
    %scan3A_6 = arith.constant 1 : i32
    scf.for %scan3A_31 = %scan3A_3 to %scan3A_5 step %scan3A_6  : i32 {
      %broadcast_in_dim3A = arith.constant 0.000000e+00 : f32
      %broadcast_in_dim3A_32 = vector.broadcast %broadcast_in_dim3A : f32 to vector<16xf32>
      %swap3A = arith.index_cast %scan3A_31 : i32 to index
      %swap3A_33 = arith.constant 0 : index
      %swap3A_34 = tpu.vector_load %arg9[%swap3A, %swap3A_33] {strides = array<i32>} : memref<80x128xf32, #tpu.memory_space<vmem>>, vector<1x16xf32>,
      %swap3A_35 = vector.shape_cast %swap3A_34 : vector<1x16xf32> to vector<16xf32>
      %swap3A_36 = vector.shape_cast %broadcast_in_dim3A_32 : vector<16xf32> to vector<1x16xf32>
      tpu.vector_store %arg9[%swap3A, %swap3A_33], %swap3A_36 {strides = array<i32>} : memref<80x128xf32, #tpu.memory_space<vmem>>, vector<1x16xf32>,
      %broadcast_in_dim3A_37 = arith.constant 0.000000e+00 : f32
      %broadcast_in_dim3A_38 = vector.broadcast %broadcast_in_dim3A_37 : f32 to vector<16xf32>
      %swap3A_39 = arith.index_cast %scan3A_31 : i32 to index
      %swap3A_40 = arith.constant 16 : index
      %swap3A_41 = tpu.vector_load %arg9[%swap3A_39, %swap3A_40] {strides = array<i32>} : memref<80x128xf32, #tpu.memory_space<vmem>>, vector<1x16xf32>,
      %swap3A_42 = vector.shape_cast %swap3A_41 : vector<1x16xf32> to vector<16xf32>
      %swap3A_43 = vector.shape_cast %broadcast_in_dim3A_38 : vector<16xf32> to vector<1x16xf32>
      tpu.vector_store %arg9[%swap3A_39, %swap3A_40], %swap3A_43 {strides = array<i32>} : memref<80x128xf32, #tpu.memory_space<vmem>>, vector<1x16xf32>,
      %broadcast_in_dim3A_44 = arith.constant 0.000000e+00 : f32
      %broadcast_in_dim3A_45 = vector.broadcast %broadcast_in_dim3A_44 : f32 to vector<16xf32>
      %swap3A_46 = arith.index_cast %scan3A_31 : i32 to index
      %swap3A_47 = arith.constant 32 : index
      %swap3A_48 = tpu.vector_load %arg9[%swap3A_46, %swap3A_47] {strides = array<i32>} : memref<80x128xf32, #tpu.memory_space<vmem>>, vector<1x16xf32>,
      %swap3A_49 = vector.shape_cast %swap3A_48 : vector<1x16xf32> to vector<16xf32>
      %swap3A_50 = vector.shape_cast %broadcast_in_dim3A_45 : vector<16xf32> to vector<1x16xf32>
      tpu.vector_store %arg9[%swap3A_46, %swap3A_47], %swap3A_50 {strides = array<i32>} : memref<80x128xf32, #tpu.memory_space<vmem>>, vector<1x16xf32>,
      %broadcast_in_dim3A_51 = arith.constant 0.000000e+00 : f32
      %broadcast_in_dim3A_52 = vector.broadcast %broadcast_in_dim3A_51 : f32 to vector<16xf32>
      %swap3A_53 = arith.index_cast %scan3A_31 : i32 to index
      %swap3A_54 = arith.constant 48 : index
      %swap3A_55 = tpu.vector_load %arg9[%swap3A_53, %swap3A_54] {strides = array<i32>} : memref<80x128xf32, #tpu.memory_space<vmem>>, vector<1x16xf32>,
      %swap3A_56 = vector.shape_cast %swap3A_55 : vector<1x16xf32> to vector<16xf32>
      %swap3A_57 = vector.shape_cast %broadcast_in_dim3A_52 : vector<16xf32> to vector<1x16xf32>
      tpu.vector_store %arg9[%swap3A_53, %swap3A_54], %swap3A_57 {strides = array<i32>} : memref<80x128xf32, #tpu.memory_space<vmem>>, vector<1x16xf32>,
      %broadcast_in_dim3A_58 = arith.constant 0.000000e+00 : f32
      %broadcast_in_dim3A_59 = vector.broadcast %broadcast_in_dim3A_58 : f32 to vector<16xf32>
      %swap3A_60 = arith.index_cast %scan3A_31 : i32 to index
      %swap3A_61 = arith.constant 64 : index
      %swap3A_62 = tpu.vector_load %arg9[%swap3A_60, %swap3A_61] {strides = array<i32>} : memref<80x128xf32, #tpu.memory_space<vmem>>, vector<1x16xf32>,
      %swap3A_63 = vector.shape_cast %swap3A_62 : vector<1x16xf32> to vector<16xf32>
      %swap3A_64 = vector.shape_cast %broadcast_in_dim3A_59 : vector<16xf32> to vector<1x16xf32>
      tpu.vector_store %arg9[%swap3A_60, %swap3A_61], %swap3A_64 {strides = array<i32>} : memref<80x128xf32, #tpu.memory_space<vmem>>, vector<1x16xf32>,
      %broadcast_in_dim3A_65 = arith.constant 0.000000e+00 : f32
      %broadcast_in_dim3A_66 = vector.broadcast %broadcast_in_dim3A_65 : f32 to vector<16xf32>
      %swap3A_67 = arith.index_cast %scan3A_31 : i32 to index
      %swap3A_68 = arith.constant 80 : index
      %swap3A_69 = tpu.vector_load %arg9[%swap3A_67, %swap3A_68] {strides = array<i32>} : memref<80x128xf32, #tpu.memory_space<vmem>>, vector<1x16xf32>,
      %swap3A_70 = vector.shape_cast %swap3A_69 : vector<1x16xf32> to vector<16xf32>
      %swap3A_71 = vector.shape_cast %broadcast_in_dim3A_66 : vector<16xf32> to vector<1x16xf32>
      tpu.vector_store %arg9[%swap3A_67, %swap3A_68], %swap3A_71 {strides = array<i32>} : memref<80x128xf32, #tpu.memory_space<vmem>>, vector<1x16xf32>,
      %broadcast_in_dim3A_72 = arith.constant 0.000000e+00 : f32
      %broadcast_in_dim3A_73 = vector.broadcast %broadcast_in_dim3A_72 : f32 to vector<16xf32>
      %swap3A_74 = arith.index_cast %scan3A_31 : i32 to index
      %swap3A_75 = arith.constant 96 : index
      %swap3A_76 = tpu.vector_load %arg9[%swap3A_74, %swap3A_75] {strides = array<i32>} : memref<80x128xf32, #tpu.memory_space<vmem>>, vector<1x16xf32>,
      %swap3A_77 = vector.shape_cast %swap3A_76 : vector<1x16xf32> to vector<16xf32>
      %swap3A_78 = vector.shape_cast %broadcast_in_dim3A_73 : vector<16xf32> to vector<1x16xf32>
      tpu.vector_store %arg9[%swap3A_74, %swap3A_75], %swap3A_78 {strides = array<i32>} : memref<80x128xf32, #tpu.memory_space<vmem>>, vector<1x16xf32>,
      %broadcast_in_dim3A_79 = arith.constant 0.000000e+00 : f32
      %broadcast_in_dim3A_80 = vector.broadcast %broadcast_in_dim3A_79 : f32 to vector<16xf32>
      %swap3A_81 = arith.index_cast %scan3A_31 : i32 to index
      %swap3A_82 = arith.constant 112 : index
      %swap3A_83 = tpu.vector_load %arg9[%swap3A_81, %swap3A_82] {strides = array<i32>} : memref<80x128xf32, #tpu.memory_space<vmem>>, vector<1x16xf32>,
      %swap3A_84 = vector.shape_cast %swap3A_83 : vector<1x16xf32> to vector<16xf32>
      %swap3A_85 = vector.shape_cast %broadcast_in_dim3A_80 : vector<16xf32> to vector<1x16xf32>
      tpu.vector_store %arg9[%swap3A_81, %swap3A_82], %swap3A_85 {strides = array<i32>} : memref<80x128xf32, #tpu.memory_space<vmem>>, vector<1x16xf32>,
    }
    %scan3A_7 = arith.constant 80 : i32
    %lt3A = arith.constant 15 : i32
    %lt3A_8 = arith.cmpi slt, %arg1, %lt3A : i32
    %convert_element_type3A = arith.extui %lt3A_8 : i1 to i32
    %cond3A = arith.constant 0 : i32
    %cond3A_9 = arith.cmpi ne, %convert_element_type3A, %cond3A : i32
    scf.if %cond3A_9 {
      %scan3A_31 = arith.constant 0 : i32
      %scan3A_32 = arith.constant 0 : i32
      %scan3A_33 = arith.constant 8 : i32
      %scan3A_34 = arith.addi %scan3A_32, %scan3A_33 : i32
      %scan3A_35 = arith.constant 1 : i32
      scf.for %scan3A_37 = %scan3A_32 to %scan3A_34 step %scan3A_35  : i32 {
        %mul3A_38 = arith.constant 80 : i32
        %mul3A_39 = arith.muli %scan3A_37, %mul3A_38 : i32
        %add3A = arith.addi %mul3A_2, %mul3A_39 : i32
        "tpu.region"() ({
          %run_scoped3A = tpu.sem_alloc : memref<!tpu.dma_semaphore, #tpu.memory_space<semaphore_mem>>
          %dma_start3A = arith.constant 0 : i32
          %dma_start3A_40 = tpu.memref_slice %arg5[%add3A, %dma_start3A] : memref<10000x128xf32, #tpu.memory_space<vmem_shared>> -> memref<80x128xf32, #tpu.memory_space<vmem_shared>>
          %dma_start3A_41 = arith.constant 0 : i32
          %dma_start3A_42 = tpu.memref_slice %arg5[%add3A, %dma_start3A_41] : memref<10000x128xf32, #tpu.memory_space<vmem_shared>> -> memref<80x128xf32, #tpu.memory_space<vmem_shared>>
          tpu.enqueue_dma source(%arg9 : memref<80x128xf32, #tpu.memory_space<vmem>>) target(%dma_start3A_42 : memref<80x128xf32, #tpu.memory_space<vmem_shared>>) target_semaphore(%run_scoped3A : memref<!tpu.dma_semaphore, #tpu.memory_space<semaphore_mem>>)
          %dma_wait3A = arith.constant 0 : i32
          %dma_wait3A_43 = tpu.memref_slice %arg5[%add3A, %dma_wait3A] : memref<10000x128xf32, #tpu.memory_space<vmem_shared>> -> memref<80x128xf32, #tpu.memory_space<vmem_shared>>
          %dma_wait3A_44 = arith.constant 0 : i32
          %dma_wait3A_45 = tpu.memref_slice %arg5[%add3A, %dma_wait3A_44] : memref<10000x128xf32, #tpu.memory_space<vmem_shared>> -> memref<80x128xf32, #tpu.memory_space<vmem_shared>>
          tpu.wait_dma2 semaphore(%run_scoped3A : memref<!tpu.dma_semaphore, #tpu.memory_space<semaphore_mem>>) src(%arg9 : memref<80x128xf32, #tpu.memory_space<vmem>>) dst(%dma_wait3A_45 : memref<80x128xf32, #tpu.memory_space<vmem_shared>>)
          tpu.yield
        }) : () -> ()
      }
      %scan3A_36 = arith.constant 8 : i32
    } else {
    }
    %eq3A = arith.constant 15 : i32
    %eq3A_10 = arith.cmpi eq, %arg1, %eq3A : i32
    %convert_element_type3A_11 = arith.extui %eq3A_10 : i1 to i32
    %cond3A_12 = arith.constant 0 : i32
    %cond3A_13 = arith.cmpi ne, %convert_element_type3A_11, %cond3A_12 : i32
    scf.if %cond3A_13 {
      %scan3A_31 = arith.constant 0 : i32
      %scan3A_32 = arith.constant 0 : i32
      %scan3A_33 = arith.constant 5 : i32
      %scan3A_34 = arith.addi %scan3A_32, %scan3A_33 : i32
      %scan3A_35 = arith.constant 1 : i32
      scf.for %scan3A_37 = %scan3A_32 to %scan3A_34 step %scan3A_35  : i32 {
        %mul3A_38 = arith.constant 80 : i32
        %mul3A_39 = arith.muli %scan3A_37, %mul3A_38 : i32
        %add3A = arith.constant 9600 : i32
        %add3A_40 = arith.addi %add3A, %mul3A_39 : i32
        "tpu.region"() ({
          %run_scoped3A = tpu.sem_alloc : memref<!tpu.dma_semaphore, #tpu.memory_space<semaphore_mem>>
          %dma_start3A = arith.constant 0 : i32
          %dma_start3A_41 = tpu.memref_slice %arg5[%add3A_40, %dma_start3A] : memref<10000x128xf32, #tpu.memory_space<vmem_shared>> -> memref<80x128xf32, #tpu.memory_space<vmem_shared>>
          %dma_start3A_42 = arith.constant 0 : i32
          %dma_start3A_43 = tpu.memref_slice %arg5[%add3A_40, %dma_start3A_42] : memref<10000x128xf32, #tpu.memory_space<vmem_shared>> -> memref<80x128xf32, #tpu.memory_space<vmem_shared>>
          tpu.enqueue_dma source(%arg9 : memref<80x128xf32, #tpu.memory_space<vmem>>) target(%dma_start3A_43 : memref<80x128xf32, #tpu.memory_space<vmem_shared>>) target_semaphore(%run_scoped3A : memref<!tpu.dma_semaphore, #tpu.memory_space<semaphore_mem>>)
          %dma_wait3A = arith.constant 0 : i32
          %dma_wait3A_44 = tpu.memref_slice %arg5[%add3A_40, %dma_wait3A] : memref<10000x128xf32, #tpu.memory_space<vmem_shared>> -> memref<80x128xf32, #tpu.memory_space<vmem_shared>>
          %dma_wait3A_45 = arith.constant 0 : i32
          %dma_wait3A_46 = tpu.memref_slice %arg5[%add3A_40, %dma_wait3A_45] : memref<10000x128xf32, #tpu.memory_space<vmem_shared>> -> memref<80x128xf32, #tpu.memory_space<vmem_shared>>
          tpu.wait_dma2 semaphore(%run_scoped3A : memref<!tpu.dma_semaphore, #tpu.memory_space<semaphore_mem>>) src(%arg9 : memref<80x128xf32, #tpu.memory_space<vmem>>) dst(%dma_wait3A_46 : memref<80x128xf32, #tpu.memory_space<vmem_shared>>)
          tpu.yield
        }) : () -> ()
      }
      %scan3A_36 = arith.constant 5 : i32
    } else {
    }
    %barrier3A = arith.constant 0 : index
    tpu.barrier barrier_id(%barrier3A)
    %scan3A_14 = arith.constant 0 : i32
    %scan3A_15 = arith.constant 0 : i32
    %scan3A_16 = arith.constant 2 : i32
    %scan3A_17 = arith.addi %scan3A_15, %scan3A_16 : i32
    %scan3A_18 = arith.constant 1 : i32
    scf.for %scan3A_31 = %scan3A_15 to %scan3A_17 step %scan3A_18  : i32 {
      %mul3A_32 = arith.constant 20000 : i32
      %mul3A_33 = arith.muli %arg1, %mul3A_32 : i32
      %mul3A_34 = arith.constant 10000 : i32
      %mul3A_35 = arith.muli %scan3A_31, %mul3A_34 : i32
      %add3A = arith.addi %mul3A_33, %mul3A_35 : i32
      %add3A_36 = arith.constant 320000 : i32
      %add3A_37 = arith.addi %add3A_36, %add3A : i32
      "tpu.region"() ({
        %run_scoped3A = tpu.sem_alloc : memref<!tpu.dma_semaphore, #tpu.memory_space<semaphore_mem>>
        %dma_start3A_96 = tpu.memref_slice %arg3[%add3A_37] : memref<640000xi32, #tpu.memory_space<hbm>> -> memref<10000xi32, #tpu.memory_space<hbm>>
        %dma_start3A_97 = tpu.memref_slice %arg3[%add3A_37] : memref<640000xi32, #tpu.memory_space<hbm>> -> memref<10000xi32, #tpu.memory_space<hbm>>
        tpu.enqueue_dma source(%dma_start3A_97 : memref<10000xi32, #tpu.memory_space<hbm>>) target(%arg6 : memref<10000xi32, #tpu.memory_space<vmem>>) target_semaphore(%run_scoped3A : memref<!tpu.dma_semaphore, #tpu.memory_space<semaphore_mem>>)
        %dma_wait3A_98 = tpu.memref_slice %arg3[%add3A_37] : memref<640000xi32, #tpu.memory_space<hbm>> -> memref<10000xi32, #tpu.memory_space<hbm>>
        %dma_wait3A_99 = tpu.memref_slice %arg3[%add3A_37] : memref<640000xi32, #tpu.memory_space<hbm>> -> memref<10000xi32, #tpu.memory_space<hbm>>
        tpu.wait_dma2 semaphore(%run_scoped3A : memref<!tpu.dma_semaphore, #tpu.memory_space<semaphore_mem>>) src(%dma_wait3A_99 : memref<10000xi32, #tpu.memory_space<hbm>>) dst(%arg6 : memref<10000xi32, #tpu.memory_space<vmem>>)
        tpu.yield
      }) : () -> ()
      "tpu.region"() ({
        %run_scoped3A = tpu.sem_alloc : memref<!tpu.dma_semaphore, #tpu.memory_space<semaphore_mem>>
        %dma_start3A_96 = tpu.memref_slice %arg3[%add3A] : memref<640000xi32, #tpu.memory_space<hbm>> -> memref<10000xi32, #tpu.memory_space<hbm>>
        %dma_start3A_97 = tpu.memref_slice %arg3[%add3A] : memref<640000xi32, #tpu.memory_space<hbm>> -> memref<10000xi32, #tpu.memory_space<hbm>>
        tpu.enqueue_dma source(%dma_start3A_97 : memref<10000xi32, #tpu.memory_space<hbm>>) target(%arg7 : memref<10000xi32, #tpu.memory_space<vmem>>) target_semaphore(%run_scoped3A : memref<!tpu.dma_semaphore, #tpu.memory_space<semaphore_mem>>)
        %dma_wait3A_98 = tpu.memref_slice %arg3[%add3A] : memref<640000xi32, #tpu.memory_space<hbm>> -> memref<10000xi32, #tpu.memory_space<hbm>>
        %dma_wait3A_99 = tpu.memref_slice %arg3[%add3A] : memref<640000xi32, #tpu.memory_space<hbm>> -> memref<10000xi32, #tpu.memory_space<hbm>>
        tpu.wait_dma2 semaphore(%run_scoped3A : memref<!tpu.dma_semaphore, #tpu.memory_space<semaphore_mem>>) src(%dma_wait3A_99 : memref<10000xi32, #tpu.memory_space<hbm>>) dst(%arg7 : memref<10000xi32, #tpu.memory_space<vmem>>)
        tpu.yield
      }) : () -> ()
      %scan3A_38 = arith.constant 0 : i32
      %scan3A_39 = arith.constant 0 : i32
      %scan3A_40 = arith.constant 625 : i32
      %scan3A_41 = arith.addi %scan3A_39, %scan3A_40 : i32
      %scan3A_42 = arith.constant 1 : i32
      scf.for %scan3A_96 = %scan3A_39 to %scan3A_41 step %scan3A_42  : i32 {
        %mul3A_97 = arith.constant 16 : i32
        %mul3A_98 = arith.muli %scan3A_96, %mul3A_97 : i32
        %get3A_99 = arith.index_cast %mul3A_98 : i32 to index
        %get3A_100 = tpu.vector_load %arg7[%get3A_99] {strides = array<i32>} : memref<10000xi32, #tpu.memory_space<vmem>>, vector<16xi32>,
        %get3A_101 = vector.shape_cast %get3A_100 : vector<16xi32> to vector<16xi32>
        %add3A_102 = vector.broadcast %mul3A_0 : i32 to vector<16xi32>
        %add3A_103 = arith.addi %get3A_101, %add3A_102 : vector<16xi32>
        %mul3A_104 = arith.constant 16 : i32
        %mul3A_105 = arith.muli %scan3A_96, %mul3A_104 : i32
        %swap3A_106 = arith.index_cast %mul3A_105 : i32 to index
        %swap3A_107 = tpu.vector_load %arg7[%swap3A_106] {strides = array<i32>} : memref<10000xi32, #tpu.memory_space<vmem>>, vector<16xi32>,
        %swap3A_108 = vector.shape_cast %swap3A_107 : vector<16xi32> to vector<16xi32>
        %swap3A_109 = vector.shape_cast %add3A_103 : vector<16xi32> to vector<16xi32>
        tpu.vector_store %arg7[%swap3A_106], %swap3A_109 {strides = array<i32>} : memref<10000xi32, #tpu.memory_space<vmem>>, vector<16xi32>,
      }
      %scan3A_43 = arith.constant 625 : i32
      %dma_start3A = arith.constant 0 : i32
      %dma_start3A_44 = tpu.memref_slice %arg7[%dma_start3A] : memref<10000xi32, #tpu.memory_space<vmem>> -> memref<80xi32, #tpu.memory_space<vmem>>
      %dma_start3A_45 = arith.constant 0 : i32
      %dma_start3A_46 = arith.constant 0 : i32
      %dma_start3A_47 = tpu.memref_slice %arg2[%dma_start3A_45, %dma_start3A_46] : memref<20000x128xf32, #tpu.memory_space<hbm>> -> memref<20000x128xf32, #tpu.memory_space<hbm>>
      tpu.enqueue_indirect_dma source(%dma_start3A_47 : memref<20000x128xf32, #tpu.memory_space<hbm>>) target(%arg9 : memref<80x128xf32, #tpu.memory_space<vmem>>) offsets(%dma_start3A_44 : memref<80xi32, #tpu.memory_space<vmem>>) semaphore(%arg11 : memref<!tpu.dma_semaphore, #tpu.memory_space<semaphore_mem>>)
      %scan3A_48 = arith.constant 0 : i32
      %scan3A_49 = arith.constant 0 : i32
      %scan3A_50 = arith.constant 62 : i32
      %scan3A_51 = arith.addi %scan3A_49, %scan3A_50 : i32
      %scan3A_52 = arith.constant 1 : i32
      scf.for %scan3A_96 = %scan3A_49 to %scan3A_51 step %scan3A_52  : i32 {
        %mul3A_97 = arith.constant 2 : i32
        %mul3A_98 = arith.muli %mul3A_97, %scan3A_96 : i32
        %add3A_99 = arith.constant 1 : i32
        %add3A_100 = arith.addi %mul3A_98, %add3A_99 : i32
        %mul3A_101 = arith.constant 80 : i32
        %mul3A_102 = arith.muli %add3A_100, %mul3A_101 : i32
        %dma_start3A_103 = tpu.memref_slice %arg7[%mul3A_102] : memref<10000xi32, #tpu.memory_space<vmem>> -> memref<80xi32, #tpu.memory_space<vmem>>
        %dma_start3A_104 = arith.constant 0 : i32
        %dma_start3A_105 = arith.constant 0 : i32
        %dma_start3A_106 = tpu.memref_slice %arg2[%dma_start3A_104, %dma_start3A_105] : memref<20000x128xf32, #tpu.memory_space<hbm>> -> memref<20000x128xf32, #tpu.memory_space<hbm>>
        tpu.enqueue_indirect_dma source(%dma_start3A_106 : memref<20000x128xf32, #tpu.memory_space<hbm>>) target(%arg10 : memref<80x128xf32, #tpu.memory_space<vmem>>) offsets(%dma_start3A_103 : memref<80xi32, #tpu.memory_space<vmem>>) semaphore(%arg12 : memref<!tpu.dma_semaphore, #tpu.memory_space<semaphore_mem>>)
        %mul3A_107 = arith.constant 80 : i32
        %mul3A_108 = arith.muli %mul3A_98, %mul3A_107 : i32
        %add3A_109 = arith.constant 0 : i32
        %add3A_110 = arith.addi %mul3A_108, %add3A_109 : i32
        %get3A_111 = arith.index_cast %add3A_110 : i32 to index
        %get3A_112 = tpu.vector_load %arg6[%get3A_111] {strides = array<i32>} : memref<10000xi32, #tpu.memory_space<vmem>>, vector<16xi32>,
        %get3A_113 = vector.shape_cast %get3A_112 : vector<16xi32> to vector<16xi32>
        %swap3A_114 = arith.constant 0 : index
        %swap3A_115 = tpu.vector_load %arg8[%swap3A_114] {strides = array<i32>} : memref<80xi32, #tpu.memory_space<vmem>>, vector<16xi32>,
        %swap3A_116 = vector.shape_cast %swap3A_115 : vector<16xi32> to vector<16xi32>
        %swap3A_117 = vector.shape_cast %get3A_113 : vector<16xi32> to vector<16xi32>
        tpu.vector_store %arg8[%swap3A_114], %swap3A_117 {strides = array<i32>} : memref<80xi32, #tpu.memory_space<vmem>>, vector<16xi32>,
        %mul3A_118 = arith.constant 80 : i32
        %mul3A_119 = arith.muli %mul3A_98, %mul3A_118 : i32
        %add3A_120 = arith.constant 16 : i32
        %add3A_121 = arith.addi %mul3A_119, %add3A_120 : i32
        %get3A_122 = arith.index_cast %add3A_121 : i32 to index
        %get3A_123 = tpu.vector_load %arg6[%get3A_122] {strides = array<i32>} : memref<10000xi32, #tpu.memory_space<vmem>>, vector<16xi32>,
        %get3A_124 = vector.shape_cast %get3A_123 : vector<16xi32> to vector<16xi32>
        %swap3A_125 = arith.constant 16 : index
        %swap3A_126 = tpu.vector_load %arg8[%swap3A_125] {strides = array<i32>} : memref<80xi32, #tpu.memory_space<vmem>>, vector<16xi32>,
        %swap3A_127 = vector.shape_cast %swap3A_126 : vector<16xi32> to vector<16xi32>
        %swap3A_128 = vector.shape_cast %get3A_124 : vector<16xi32> to vector<16xi32>
        tpu.vector_store %arg8[%swap3A_125], %swap3A_128 {strides = array<i32>} : memref<80xi32, #tpu.memory_space<vmem>>, vector<16xi32>,
        %mul3A_129 = arith.constant 80 : i32
        %mul3A_130 = arith.muli %mul3A_98, %mul3A_129 : i32
        %add3A_131 = arith.constant 32 : i32
        %add3A_132 = arith.addi %mul3A_130, %add3A_131 : i32
        %get3A_133 = arith.index_cast %add3A_132 : i32 to index
        %get3A_134 = tpu.vector_load %arg6[%get3A_133] {strides = array<i32>} : memref<10000xi32, #tpu.memory_space<vmem>>, vector<16xi32>,
        %get3A_135 = vector.shape_cast %get3A_134 : vector<16xi32> to vector<16xi32>
        %swap3A_136 = arith.constant 32 : index
        %swap3A_137 = tpu.vector_load %arg8[%swap3A_136] {strides = array<i32>} : memref<80xi32, #tpu.memory_space<vmem>>, vector<16xi32>,
        %swap3A_138 = vector.shape_cast %swap3A_137 : vector<16xi32> to vector<16xi32>
        %swap3A_139 = vector.shape_cast %get3A_135 : vector<16xi32> to vector<16xi32>
        tpu.vector_store %arg8[%swap3A_136], %swap3A_139 {strides = array<i32>} : memref<80xi32, #tpu.memory_space<vmem>>, vector<16xi32>,
        %mul3A_140 = arith.constant 80 : i32
        %mul3A_141 = arith.muli %mul3A_98, %mul3A_140 : i32
        %add3A_142 = arith.constant 48 : i32
        %add3A_143 = arith.addi %mul3A_141, %add3A_142 : i32
        %get3A_144 = arith.index_cast %add3A_143 : i32 to index
        %get3A_145 = tpu.vector_load %arg6[%get3A_144] {strides = array<i32>} : memref<10000xi32, #tpu.memory_space<vmem>>, vector<16xi32>,
        %get3A_146 = vector.shape_cast %get3A_145 : vector<16xi32> to vector<16xi32>
        %swap3A_147 = arith.constant 48 : index
        %swap3A_148 = tpu.vector_load %arg8[%swap3A_147] {strides = array<i32>} : memref<80xi32, #tpu.memory_space<vmem>>, vector<16xi32>,
        %swap3A_149 = vector.shape_cast %swap3A_148 : vector<16xi32> to vector<16xi32>
        %swap3A_150 = vector.shape_cast %get3A_146 : vector<16xi32> to vector<16xi32>
        tpu.vector_store %arg8[%swap3A_147], %swap3A_150 {strides = array<i32>} : memref<80xi32, #tpu.memory_space<vmem>>, vector<16xi32>,
        %mul3A_151 = arith.constant 80 : i32
        %mul3A_152 = arith.muli %mul3A_98, %mul3A_151 : i32
        %add3A_153 = arith.constant 64 : i32
        %add3A_154 = arith.addi %mul3A_152, %add3A_153 : i32
        %get3A_155 = arith.index_cast %add3A_154 : i32 to index
        %get3A_156 = tpu.vector_load %arg6[%get3A_155] {strides = array<i32>} : memref<10000xi32, #tpu.memory_space<vmem>>, vector<16xi32>,
        %get3A_157 = vector.shape_cast %get3A_156 : vector<16xi32> to vector<16xi32>
        %swap3A_158 = arith.constant 64 : index
        %swap3A_159 = tpu.vector_load %arg8[%swap3A_158] {strides = array<i32>} : memref<80xi32, #tpu.memory_space<vmem>>, vector<16xi32>,
        %swap3A_160 = vector.shape_cast %swap3A_159 : vector<16xi32> to vector<16xi32>
        %swap3A_161 = vector.shape_cast %get3A_157 : vector<16xi32> to vector<16xi32>
        tpu.vector_store %arg8[%swap3A_158], %swap3A_161 {strides = array<i32>} : memref<80xi32, #tpu.memory_space<vmem>>, vector<16xi32>,
        %mul3A_162 = arith.constant 80 : i32
        %mul3A_163 = arith.muli %mul3A_98, %mul3A_162 : i32
        %dma_wait3A_164 = tpu.memref_slice %arg7[%mul3A_163] : memref<10000xi32, #tpu.memory_space<vmem>> -> memref<80xi32, #tpu.memory_space<vmem>>
        %dma_wait3A_165 = arith.constant 0 : i32
        %dma_wait3A_166 = arith.constant 0 : i32
        %dma_wait3A_167 = tpu.memref_slice %arg2[%dma_wait3A_165, %dma_wait3A_166] : memref<20000x128xf32, #tpu.memory_space<hbm>> -> memref<20000x128xf32, #tpu.memory_space<hbm>>
        tpu.wait_indirect_dma semaphore(%arg11 : memref<!tpu.dma_semaphore, #tpu.memory_space<semaphore_mem>>) src(%dma_wait3A_167 : memref<20000x128xf32, #tpu.memory_space<hbm>>) dst(%arg9 : memref<80x128xf32, #tpu.memory_space<vmem>>)
        "tpu.region"() ({
          %run_scoped3A = tpu.sem_alloc : memref<!tpu.dma_semaphore, #tpu.memory_space<semaphore_mem>>
          %dma_start3A_234 = arith.constant 0 : i32
          %dma_start3A_235 = arith.constant 0 : i32
          %dma_start3A_236 = tpu.memref_slice %arg5[%dma_start3A_234, %dma_start3A_235] : memref<10000x128xf32, #tpu.memory_space<vmem_shared>> -> memref<10000x128xf32, #tpu.memory_space<vmem_shared>>
          tpu.enqueue_indirect_dma source(%arg9 : memref<80x128xf32, #tpu.memory_space<vmem>>) target(%dma_start3A_236 : memref<10000x128xf32, #tpu.memory_space<vmem_shared>>) offsets(%arg8 : memref<80xi32, #tpu.memory_space<vmem>>) semaphore(%run_scoped3A : memref<!tpu.dma_semaphore, #tpu.memory_space<semaphore_mem>>) {add = true}
          %dma_wait3A_237 = arith.constant 0 : i32
          %dma_wait3A_238 = arith.constant 0 : i32
          %dma_wait3A_239 = tpu.memref_slice %arg5[%dma_wait3A_237, %dma_wait3A_238] : memref<10000x128xf32, #tpu.memory_space<vmem_shared>> -> memref<10000x128xf32, #tpu.memory_space<vmem_shared>>
          tpu.wait_indirect_dma semaphore(%run_scoped3A : memref<!tpu.dma_semaphore, #tpu.memory_space<semaphore_mem>>) src(%arg9 : memref<80x128xf32, #tpu.memory_space<vmem>>) dst(%dma_wait3A_239 : memref<10000x128xf32, #tpu.memory_space<vmem_shared>>)
          tpu.yield
        }) : () -> ()
        %lt3A_168 = arith.constant 61 : i32
        %lt3A_169 = arith.cmpi slt, %scan3A_96, %lt3A_168 : i32
        %convert_element_type3A_170 = arith.extui %lt3A_169 : i1 to i32
        %cond3A_171 = arith.constant 0 : i32
        %cond3A_172 = arith.cmpi ne, %convert_element_type3A_170, %cond3A_171 : i32
        scf.if %cond3A_172 {
          %add3A_234 = arith.constant 2 : i32
          %add3A_235 = arith.addi %mul3A_98, %add3A_234 : i32
          %mul3A_236 = arith.constant 80 : i32
          %mul3A_237 = arith.muli %add3A_235, %mul3A_236 : i32
          %dma_start3A_238 = tpu.memref_slice %arg7[%mul3A_237] : memref<10000xi32, #tpu.memory_space<vmem>> -> memref<80xi32, #tpu.memory_space<vmem>>
          %dma_start3A_239 = arith.constant 0 : i32
          %dma_start3A_240 = arith.constant 0 : i32
          %dma_start3A_241 = tpu.memref_slice %arg2[%dma_start3A_239, %dma_start3A_240] : memref<20000x128xf32, #tpu.memory_space<hbm>> -> memref<20000x128xf32, #tpu.memory_space<hbm>>
          tpu.enqueue_indirect_dma source(%dma_start3A_241 : memref<20000x128xf32, #tpu.memory_space<hbm>>) target(%arg9 : memref<80x128xf32, #tpu.memory_space<vmem>>) offsets(%dma_start3A_238 : memref<80xi32, #tpu.memory_space<vmem>>) semaphore(%arg11 : memref<!tpu.dma_semaphore, #tpu.memory_space<semaphore_mem>>)
        } else {
        }
        %mul3A_173 = arith.constant 80 : i32
        %mul3A_174 = arith.muli %add3A_100, %mul3A_173 : i32
        %add3A_175 = arith.constant 0 : i32
        %add3A_176 = arith.addi %mul3A_174, %add3A_175 : i32
        %get3A_177 = arith.index_cast %add3A_176 : i32 to index
        %get3A_178 = tpu.vector_load %arg6[%get3A_177] {strides = array<i32>} : memref<10000xi32, #tpu.memory_space<vmem>>, vector<16xi32>,
        %get3A_179 = vector.shape_cast %get3A_178 : vector<16xi32> to vector<16xi32>
        %swap3A_180 = arith.constant 0 : index
        %swap3A_181 = tpu.vector_load %arg8[%swap3A_180] {strides = array<i32>} : memref<80xi32, #tpu.memory_space<vmem>>, vector<16xi32>,
        %swap3A_182 = vector.shape_cast %swap3A_181 : vector<16xi32> to vector<16xi32>
        %swap3A_183 = vector.shape_cast %get3A_179 : vector<16xi32> to vector<16xi32>
        tpu.vector_store %arg8[%swap3A_180], %swap3A_183 {strides = array<i32>} : memref<80xi32, #tpu.memory_space<vmem>>, vector<16xi32>,
        %mul3A_184 = arith.constant 80 : i32
        %mul3A_185 = arith.muli %add3A_100, %mul3A_184 : i32
        %add3A_186 = arith.constant 16 : i32
        %add3A_187 = arith.addi %mul3A_185, %add3A_186 : i32
        %get3A_188 = arith.index_cast %add3A_187 : i32 to index
        %get3A_189 = tpu.vector_load %arg6[%get3A_188] {strides = array<i32>} : memref<10000xi32, #tpu.memory_space<vmem>>, vector<16xi32>,
        %get3A_190 = vector.shape_cast %get3A_189 : vector<16xi32> to vector<16xi32>
        %swap3A_191 = arith.constant 16 : index
        %swap3A_192 = tpu.vector_load %arg8[%swap3A_191] {strides = array<i32>} : memref<80xi32, #tpu.memory_space<vmem>>, vector<16xi32>,
        %swap3A_193 = vector.shape_cast %swap3A_192 : vector<16xi32> to vector<16xi32>
        %swap3A_194 = vector.shape_cast %get3A_190 : vector<16xi32> to vector<16xi32>
        tpu.vector_store %arg8[%swap3A_191], %swap3A_194 {strides = array<i32>} : memref<80xi32, #tpu.memory_space<vmem>>, vector<16xi32>,
        %mul3A_195 = arith.constant 80 : i32
        %mul3A_196 = arith.muli %add3A_100, %mul3A_195 : i32
        %add3A_197 = arith.constant 32 : i32
        %add3A_198 = arith.addi %mul3A_196, %add3A_197 : i32
        %get3A_199 = arith.index_cast %add3A_198 : i32 to index
        %get3A_200 = tpu.vector_load %arg6[%get3A_199] {strides = array<i32>} : memref<10000xi32, #tpu.memory_space<vmem>>, vector<16xi32>,
        %get3A_201 = vector.shape_cast %get3A_200 : vector<16xi32> to vector<16xi32>
        %swap3A_202 = arith.constant 32 : index
        %swap3A_203 = tpu.vector_load %arg8[%swap3A_202] {strides = array<i32>} : memref<80xi32, #tpu.memory_space<vmem>>, vector<16xi32>,
        %swap3A_204 = vector.shape_cast %swap3A_203 : vector<16xi32> to vector<16xi32>
        %swap3A_205 = vector.shape_cast %get3A_201 : vector<16xi32> to vector<16xi32>
        tpu.vector_store %arg8[%swap3A_202], %swap3A_205 {strides = array<i32>} : memref<80xi32, #tpu.memory_space<vmem>>, vector<16xi32>,
        %mul3A_206 = arith.constant 80 : i32
        %mul3A_207 = arith.muli %add3A_100, %mul3A_206 : i32
        %add3A_208 = arith.constant 48 : i32
        %add3A_209 = arith.addi %mul3A_207, %add3A_208 : i32
        %get3A_210 = arith.index_cast %add3A_209 : i32 to index
        %get3A_211 = tpu.vector_load %arg6[%get3A_210] {strides = array<i32>} : memref<10000xi32, #tpu.memory_space<vmem>>, vector<16xi32>,
        %get3A_212 = vector.shape_cast %get3A_211 : vector<16xi32> to vector<16xi32>
        %swap3A_213 = arith.constant 48 : index
        %swap3A_214 = tpu.vector_load %arg8[%swap3A_213] {strides = array<i32>} : memref<80xi32, #tpu.memory_space<vmem>>, vector<16xi32>,
        %swap3A_215 = vector.shape_cast %swap3A_214 : vector<16xi32> to vector<16xi32>
        %swap3A_216 = vector.shape_cast %get3A_212 : vector<16xi32> to vector<16xi32>
        tpu.vector_store %arg8[%swap3A_213], %swap3A_216 {strides = array<i32>} : memref<80xi32, #tpu.memory_space<vmem>>, vector<16xi32>,
        %mul3A_217 = arith.constant 80 : i32
        %mul3A_218 = arith.muli %add3A_100, %mul3A_217 : i32
        %add3A_219 = arith.constant 64 : i32
        %add3A_220 = arith.addi %mul3A_218, %add3A_219 : i32
        %get3A_221 = arith.index_cast %add3A_220 : i32 to index
        %get3A_222 = tpu.vector_load %arg6[%get3A_221] {strides = array<i32>} : memref<10000xi32, #tpu.memory_space<vmem>>, vector<16xi32>,
        %get3A_223 = vector.shape_cast %get3A_222 : vector<16xi32> to vector<16xi32>
        %swap3A_224 = arith.constant 64 : index
        %swap3A_225 = tpu.vector_load %arg8[%swap3A_224] {strides = array<i32>} : memref<80xi32, #tpu.memory_space<vmem>>, vector<16xi32>,
        %swap3A_226 = vector.shape_cast %swap3A_225 : vector<16xi32> to vector<16xi32>
        %swap3A_227 = vector.shape_cast %get3A_223 : vector<16xi32> to vector<16xi32>
        tpu.vector_store %arg8[%swap3A_224], %swap3A_227 {strides = array<i32>} : memref<80xi32, #tpu.memory_space<vmem>>, vector<16xi32>,
        %mul3A_228 = arith.constant 80 : i32
        %mul3A_229 = arith.muli %add3A_100, %mul3A_228 : i32
        %dma_wait3A_230 = tpu.memref_slice %arg7[%mul3A_229] : memref<10000xi32, #tpu.memory_space<vmem>> -> memref<80xi32, #tpu.memory_space<vmem>>
        %dma_wait3A_231 = arith.constant 0 : i32
        %dma_wait3A_232 = arith.constant 0 : i32
        %dma_wait3A_233 = tpu.memref_slice %arg2[%dma_wait3A_231, %dma_wait3A_232] : memref<20000x128xf32, #tpu.memory_space<hbm>> -> memref<20000x128xf32, #tpu.memory_space<hbm>>
        tpu.wait_indirect_dma semaphore(%arg12 : memref<!tpu.dma_semaphore, #tpu.memory_space<semaphore_mem>>) src(%dma_wait3A_233 : memref<20000x128xf32, #tpu.memory_space<hbm>>) dst(%arg10 : memref<80x128xf32, #tpu.memory_space<vmem>>)
        "tpu.region"() ({
          %run_scoped3A = tpu.sem_alloc : memref<!tpu.dma_semaphore, #tpu.memory_space<semaphore_mem>>
          %dma_start3A_234 = arith.constant 0 : i32
          %dma_start3A_235 = arith.constant 0 : i32
          %dma_start3A_236 = tpu.memref_slice %arg5[%dma_start3A_234, %dma_start3A_235] : memref<10000x128xf32, #tpu.memory_space<vmem_shared>> -> memref<10000x128xf32, #tpu.memory_space<vmem_shared>>
          tpu.enqueue_indirect_dma source(%arg10 : memref<80x128xf32, #tpu.memory_space<vmem>>) target(%dma_start3A_236 : memref<10000x128xf32, #tpu.memory_space<vmem_shared>>) offsets(%arg8 : memref<80xi32, #tpu.memory_space<vmem>>) semaphore(%run_scoped3A : memref<!tpu.dma_semaphore, #tpu.memory_space<semaphore_mem>>) {add = true}
          %dma_wait3A_237 = arith.constant 0 : i32
          %dma_wait3A_238 = arith.constant 0 : i32
          %dma_wait3A_239 = tpu.memref_slice %arg5[%dma_wait3A_237, %dma_wait3A_238] : memref<10000x128xf32, #tpu.memory_space<vmem_shared>> -> memref<10000x128xf32, #tpu.memory_space<vmem_shared>>
          tpu.wait_indirect_dma semaphore(%run_scoped3A : memref<!tpu.dma_semaphore, #tpu.memory_space<semaphore_mem>>) src(%arg10 : memref<80x128xf32, #tpu.memory_space<vmem>>) dst(%dma_wait3A_239 : memref<10000x128xf32, #tpu.memory_space<vmem_shared>>)
          tpu.yield
        }) : () -> ()
      }
      %scan3A_53 = arith.constant 62 : i32
      %dma_start3A_54 = arith.constant 9920 : i32
      %dma_start3A_55 = tpu.memref_slice %arg7[%dma_start3A_54] : memref<10000xi32, #tpu.memory_space<vmem>> -> memref<80xi32, #tpu.memory_space<vmem>>
      %dma_start3A_56 = arith.constant 0 : i32
      %dma_start3A_57 = arith.constant 0 : i32
      %dma_start3A_58 = tpu.memref_slice %arg2[%dma_start3A_56, %dma_start3A_57] : memref<20000x128xf32, #tpu.memory_space<hbm>> -> memref<20000x128xf32, #tpu.memory_space<hbm>>
      tpu.enqueue_indirect_dma source(%dma_start3A_58 : memref<20000x128xf32, #tpu.memory_space<hbm>>) target(%arg9 : memref<80x128xf32, #tpu.memory_space<vmem>>) offsets(%dma_start3A_55 : memref<80xi32, #tpu.memory_space<vmem>>) semaphore(%arg11 : memref<!tpu.dma_semaphore, #tpu.memory_space<semaphore_mem>>)
      %get3A = arith.constant 9920 : index
      %get3A_59 = tpu.vector_load %arg6[%get3A] {strides = array<i32>} : memref<10000xi32, #tpu.memory_space<vmem>>, vector<16xi32>,
      %get3A_60 = vector.shape_cast %get3A_59 : vector<16xi32> to vector<16xi32>
      %swap3A = arith.constant 0 : index
      %swap3A_61 = tpu.vector_load %arg8[%swap3A] {strides = array<i32>} : memref<80xi32, #tpu.memory_space<vmem>>, vector<16xi32>,
      %swap3A_62 = vector.shape_cast %swap3A_61 : vector<16xi32> to vector<16xi32>
      %swap3A_63 = vector.shape_cast %get3A_60 : vector<16xi32> to vector<16xi32>
      tpu.vector_store %arg8[%swap3A], %swap3A_63 {strides = array<i32>} : memref<80xi32, #tpu.memory_space<vmem>>, vector<16xi32>,
      %get3A_64 = arith.constant 9936 : index
      %get3A_65 = tpu.vector_load %arg6[%get3A_64] {strides = array<i32>} : memref<10000xi32, #tpu.memory_space<vmem>>, vector<16xi32>,
      %get3A_66 = vector.shape_cast %get3A_65 : vector<16xi32> to vector<16xi32>
      %swap3A_67 = arith.constant 16 : index
      %swap3A_68 = tpu.vector_load %arg8[%swap3A_67] {strides = array<i32>} : memref<80xi32, #tpu.memory_space<vmem>>, vector<16xi32>,
      %swap3A_69 = vector.shape_cast %swap3A_68 : vector<16xi32> to vector<16xi32>
      %swap3A_70 = vector.shape_cast %get3A_66 : vector<16xi32> to vector<16xi32>
      tpu.vector_store %arg8[%swap3A_67], %swap3A_70 {strides = array<i32>} : memref<80xi32, #tpu.memory_space<vmem>>, vector<16xi32>,
      %get3A_71 = arith.constant 9952 : index
      %get3A_72 = tpu.vector_load %arg6[%get3A_71] {strides = array<i32>} : memref<10000xi32, #tpu.memory_space<vmem>>, vector<16xi32>,
      %get3A_73 = vector.shape_cast %get3A_72 : vector<16xi32> to vector<16xi32>
      %swap3A_74 = arith.constant 32 : index
      %swap3A_75 = tpu.vector_load %arg8[%swap3A_74] {strides = array<i32>} : memref<80xi32, #tpu.memory_space<vmem>>, vector<16xi32>,
      %swap3A_76 = vector.shape_cast %swap3A_75 : vector<16xi32> to vector<16xi32>
      %swap3A_77 = vector.shape_cast %get3A_73 : vector<16xi32> to vector<16xi32>
      tpu.vector_store %arg8[%swap3A_74], %swap3A_77 {strides = array<i32>} : memref<80xi32, #tpu.memory_space<vmem>>, vector<16xi32>,
      %get3A_78 = arith.constant 9968 : index
      %get3A_79 = tpu.vector_load %arg6[%get3A_78] {strides = array<i32>} : memref<10000xi32, #tpu.memory_space<vmem>>, vector<16xi32>,
      %get3A_80 = vector.shape_cast %get3A_79 : vector<16xi32> to vector<16xi32>
      %swap3A_81 = arith.constant 48 : index
      %swap3A_82 = tpu.vector_load %arg8[%swap3A_81] {strides = array<i32>} : memref<80xi32, #tpu.memory_space<vmem>>, vector<16xi32>,
      %swap3A_83 = vector.shape_cast %swap3A_82 : vector<16xi32> to vector<16xi32>
      %swap3A_84 = vector.shape_cast %get3A_80 : vector<16xi32> to vector<16xi32>
      tpu.vector_store %arg8[%swap3A_81], %swap3A_84 {strides = array<i32>} : memref<80xi32, #tpu.memory_space<vmem>>, vector<16xi32>,
      %get3A_85 = arith.constant 9984 : index
      %get3A_86 = tpu.vector_load %arg6[%get3A_85] {strides = array<i32>} : memref<10000xi32, #tpu.memory_space<vmem>>, vector<16xi32>,
      %get3A_87 = vector.shape_cast %get3A_86 : vector<16xi32> to vector<16xi32>
      %swap3A_88 = arith.constant 64 : index
      %swap3A_89 = tpu.vector_load %arg8[%swap3A_88] {strides = array<i32>} : memref<80xi32, #tpu.memory_space<vmem>>, vector<16xi32>,
      %swap3A_90 = vector.shape_cast %swap3A_89 : vector<16xi32> to vector<16xi32>
      %swap3A_91 = vector.shape_cast %get3A_87 : vector<16xi32> to vector<16xi32>
      tpu.vector_store %arg8[%swap3A_88], %swap3A_91 {strides = array<i32>} : memref<80xi32, #tpu.memory_space<vmem>>, vector<16xi32>,
      %dma_wait3A = arith.constant 9920 : i32
      %dma_wait3A_92 = tpu.memref_slice %arg7[%dma_wait3A] : memref<10000xi32, #tpu.memory_space<vmem>> -> memref<80xi32, #tpu.memory_space<vmem>>
      %dma_wait3A_93 = arith.constant 0 : i32
      %dma_wait3A_94 = arith.constant 0 : i32
      %dma_wait3A_95 = tpu.memref_slice %arg2[%dma_wait3A_93, %dma_wait3A_94] : memref<20000x128xf32, #tpu.memory_space<hbm>> -> memref<20000x128xf32, #tpu.memory_space<hbm>>
      tpu.wait_indirect_dma semaphore(%arg11 : memref<!tpu.dma_semaphore, #tpu.memory_space<semaphore_mem>>) src(%dma_wait3A_95 : memref<20000x128xf32, #tpu.memory_space<hbm>>) dst(%arg9 : memref<80x128xf32, #tpu.memory_space<vmem>>)
      "tpu.region"() ({
        %run_scoped3A = tpu.sem_alloc : memref<!tpu.dma_semaphore, #tpu.memory_space<semaphore_mem>>
        %dma_start3A_96 = arith.constant 0 : i32
        %dma_start3A_97 = arith.constant 0 : i32
        %dma_start3A_98 = tpu.memref_slice %arg5[%dma_start3A_96, %dma_start3A_97] : memref<10000x128xf32, #tpu.memory_space<vmem_shared>> -> memref<10000x128xf32, #tpu.memory_space<vmem_shared>>
        tpu.enqueue_indirect_dma source(%arg9 : memref<80x128xf32, #tpu.memory_space<vmem>>) target(%dma_start3A_98 : memref<10000x128xf32, #tpu.memory_space<vmem_shared>>) offsets(%arg8 : memref<80xi32, #tpu.memory_space<vmem>>) semaphore(%run_scoped3A : memref<!tpu.dma_semaphore, #tpu.memory_space<semaphore_mem>>) {add = true}
        %dma_wait3A_99 = arith.constant 0 : i32
        %dma_wait3A_100 = arith.constant 0 : i32
        %dma_wait3A_101 = tpu.memref_slice %arg5[%dma_wait3A_99, %dma_wait3A_100] : memref<10000x128xf32, #tpu.memory_space<vmem_shared>> -> memref<10000x128xf32, #tpu.memory_space<vmem_shared>>
        tpu.wait_indirect_dma semaphore(%run_scoped3A : memref<!tpu.dma_semaphore, #tpu.memory_space<semaphore_mem>>) src(%arg9 : memref<80x128xf32, #tpu.memory_space<vmem>>) dst(%dma_wait3A_101 : memref<10000x128xf32, #tpu.memory_space<vmem_shared>>)
        tpu.yield
      }) : () -> ()
    }
    %scan3A_19 = arith.constant 2 : i32
    %barrier3A_20 = arith.constant 0 : index
    tpu.barrier barrier_id(%barrier3A_20)
    %lt3A_21 = arith.constant 15 : i32
    %lt3A_22 = arith.cmpi slt, %arg1, %lt3A_21 : i32
    %convert_element_type3A_23 = arith.extui %lt3A_22 : i1 to i32
    %cond3A_24 = arith.constant 0 : i32
    %cond3A_25 = arith.cmpi ne, %convert_element_type3A_23, %cond3A_24 : i32
    scf.if %cond3A_25 {
      %add3A = arith.addi %mul3A_0, %mul3A_2 : i32
      "tpu.region"() ({
        %run_scoped3A = tpu.sem_alloc : memref<!tpu.dma_semaphore, #tpu.memory_space<semaphore_mem>>
        %dma_start3A = arith.constant 0 : i32
        %dma_start3A_31 = tpu.memref_slice %arg4[%add3A, %dma_start3A] : memref<20000x128xf32, #tpu.memory_space<hbm>> -> memref<640x128xf32, #tpu.memory_space<hbm>>
        %dma_start3A_32 = arith.constant 0 : i32
        %dma_start3A_33 = tpu.memref_slice %arg5[%mul3A_2, %dma_start3A_32] : memref<10000x128xf32, #tpu.memory_space<vmem_shared>> -> memref<640x128xf32, #tpu.memory_space<vmem_shared>>
        tpu.enqueue_dma source(%dma_start3A_33 : memref<640x128xf32, #tpu.memory_space<vmem_shared>>) target(%dma_start3A_31 : memref<640x128xf32, #tpu.memory_space<hbm>>) target_semaphore(%run_scoped3A : memref<!tpu.dma_semaphore, #tpu.memory_space<semaphore_mem>>)
        %dma_wait3A = arith.constant 0 : i32
        %dma_wait3A_34 = tpu.memref_slice %arg4[%add3A, %dma_wait3A] : memref<20000x128xf32, #tpu.memory_space<hbm>> -> memref<640x128xf32, #tpu.memory_space<hbm>>
        %dma_wait3A_35 = arith.constant 0 : i32
        %dma_wait3A_36 = tpu.memref_slice %arg5[%mul3A_2, %dma_wait3A_35] : memref<10000x128xf32, #tpu.memory_space<vmem_shared>> -> memref<640x128xf32, #tpu.memory_space<vmem_shared>>
        tpu.wait_dma2 semaphore(%run_scoped3A : memref<!tpu.dma_semaphore, #tpu.memory_space<semaphore_mem>>) src(%dma_wait3A_36 : memref<640x128xf32, #tpu.memory_space<vmem_shared>>) dst(%dma_wait3A_34 : memref<640x128xf32, #tpu.memory_space<hbm>>)
        tpu.yield
      }) : () -> ()
    } else {
    }
    %eq3A_26 = arith.constant 15 : i32
    %eq3A_27 = arith.cmpi eq, %arg1, %eq3A_26 : i32
    %convert_element_type3A_28 = arith.extui %eq3A_27 : i1 to i32
    %cond3A_29 = arith.constant 0 : i32
    %cond3A_30 = arith.cmpi ne, %convert_element_type3A_28, %cond3A_29 : i32
    scf.if %cond3A_30 {
      %add3A = arith.constant 9600 : i32
      %add3A_31 = arith.addi %mul3A_0, %add3A : i32
      "tpu.region"() ({
        %run_scoped3A = tpu.sem_alloc : memref<!tpu.dma_semaphore, #tpu.memory_space<semaphore_mem>>
        %dma_start3A = arith.constant 0 : i32
        %dma_start3A_32 = tpu.memref_slice %arg4[%add3A_31, %dma_start3A] : memref<20000x128xf32, #tpu.memory_space<hbm>> -> memref<400x128xf32, #tpu.memory_space<hbm>>
        %dma_start3A_33 = arith.constant 9600 : i32
        %dma_start3A_34 = arith.constant 0 : i32
        %dma_start3A_35 = tpu.memref_slice %arg5[%dma_start3A_33, %dma_start3A_34] : memref<10000x128xf32, #tpu.memory_space<vmem_shared>> -> memref<400x128xf32, #tpu.memory_space<vmem_shared>>
        tpu.enqueue_dma source(%dma_start3A_35 : memref<400x128xf32, #tpu.memory_space<vmem_shared>>) target(%dma_start3A_32 : memref<400x128xf32, #tpu.memory_space<hbm>>) target_semaphore(%run_scoped3A : memref<!tpu.dma_semaphore, #tpu.memory_space<semaphore_mem>>)
        %dma_wait3A = arith.constant 0 : i32
        %dma_wait3A_36 = tpu.memref_slice %arg4[%add3A_31, %dma_wait3A] : memref<20000x128xf32, #tpu.memory_space<hbm>> -> memref<400x128xf32, #tpu.memory_space<hbm>>
        %dma_wait3A_37 = arith.constant 9600 : i32
        %dma_wait3A_38 = arith.constant 0 : i32
        %dma_wait3A_39 = tpu.memref_slice %arg5[%dma_wait3A_37, %dma_wait3A_38] : memref<10000x128xf32, #tpu.memory_space<vmem_shared>> -> memref<400x128xf32, #tpu.memory_space<vmem_shared>>
        tpu.wait_dma2 semaphore(%run_scoped3A : memref<!tpu.dma_semaphore, #tpu.memory_space<semaphore_mem>>) src(%dma_wait3A_39 : memref<400x128xf32, #tpu.memory_space<vmem_shared>>) dst(%dma_wait3A_36 : memref<400x128xf32, #tpu.memory_space<hbm>>)
        tpu.yield
      }) : () -> ()
    } else {
    }
    return
  }
}

module attributes {stable_mosaic.version = 14 : i64} {
  func.func @_prep_body(%arg0: i32, %arg1: memref<10000x128xf32, #tpu.memory_space<vmem>>, %arg2: memref<10000x3xf32, #tpu.memory_space<vmem>>, %arg3: memref<1x3x64xf32, #tpu.memory_space<vmem>>, %arg4: memref<1x1x64xf32, #tpu.memory_space<vmem>>, %arg5: memref<1x128x64xf32, #tpu.memory_space<vmem>>, %arg6: memref<1x128x64xf32, #tpu.memory_space<vmem>>, %arg7: memref<10000x128xf32, #tpu.memory_space<vmem>>, %arg8: memref<1x10000x64xf32, #tpu.memory_space<vmem>>) attributes {dimension_semantics = [#tpu.dimension_semantics<arbitrary>], iteration_bounds = array<i64: 2>, scalar_prefetch = 0 : i64, scratch_operands = 0 : i64, tpu.core_type = #tpu.core_type<tc>, window_params = [{pipeline_mode = #tpu.pipeline_mode<synchronous>, transform_indices = @transform_0, window_bounds = array<i64: 10000, 128>}, {pipeline_mode = #tpu.pipeline_mode<synchronous>, transform_indices = @transform_1, window_bounds = array<i64: 10000, 3>}, {transform_indices = @transform_2, window_bounds = array<i64: 1, 3, 64>}, {transform_indices = @transform_3, window_bounds = array<i64: 1, 1, 64>}, {transform_indices = @transform_4, window_bounds = array<i64: 1, 128, 64>}, {transform_indices = @transform_5, window_bounds = array<i64: 1, 128, 64>}, {transform_indices = @transform_6, window_bounds = array<i64: 10000, 128>}, {transform_indices = @transform_7, window_bounds = array<i64: 1, 10000, 64>}]} {
    %get3A = arith.constant 0 : index
    %get3A_0 = arith.constant 0 : index
    %get3A_1 = vector.load %arg1[%get3A, %get3A_0] : memref<10000x128xf32, #tpu.memory_space<vmem>>, vector<10000x128xf32>
    %get3A_2 = arith.constant 0 : index
    %get3A_3 = arith.constant 0 : index
    %get3A_4 = vector.load %arg2[%get3A_2, %get3A_3] : memref<10000x3xf32, #tpu.memory_space<vmem>>, vector<10000x3xf32>
    %get3A_5 = arith.constant 0 : index
    %get3A_6 = arith.constant 0 : index
    %get3A_7 = arith.constant 0 : index
    %get3A_8 = vector.load %arg3[%get3A_5, %get3A_6, %get3A_7] : memref<1x3x64xf32, #tpu.memory_space<vmem>>, vector<1x3x64xf32>
    %get3A_9 = vector.shape_cast %get3A_8 : vector<1x3x64xf32> to vector<3x64xf32>
    %dot_general3A = arith.constant dense<0.000000e+00> : vector<10000x64xf32>
    %dot_general3A_10 = tpu.matmul %get3A_4, %get3A_9, %dot_general3A {dimension_numbers = #tpu.dot_dimension_numbers<[1], [0], [0], [1], [0, 0, 1, 1], [], []>, transpose_lhs_hint = false} : vector<10000x3xf32>, vector<3x64xf32>, vector<10000x64xf32> -> vector<10000x64xf32>
    %get3A_11 = arith.constant 0 : index
    %get3A_12 = arith.constant 0 : index
    %get3A_13 = arith.constant 0 : index
    %get3A_14 = vector.load %arg5[%get3A_11, %get3A_12, %get3A_13] : memref<1x128x64xf32, #tpu.memory_space<vmem>>, vector<1x128x64xf32>
    %get3A_15 = vector.shape_cast %get3A_14 : vector<1x128x64xf32> to vector<128x64xf32>
    %dot_general3A_16 = arith.constant dense<0.000000e+00> : vector<10000x64xf32>
    %dot_general3A_17 = tpu.matmul %get3A_1, %get3A_15, %dot_general3A_16 {dimension_numbers = #tpu.dot_dimension_numbers<[1], [0], [0], [1], [0, 0, 1, 1], [], []>, transpose_lhs_hint = false} : vector<10000x128xf32>, vector<128x64xf32>, vector<10000x64xf32> -> vector<10000x64xf32>
    %add3A = arith.addf %dot_general3A_17, %dot_general3A_10 : vector<10000x64xf32>
    %get3A_18 = arith.constant 0 : index
    %get3A_19 = arith.constant 0 : index
    %get3A_20 = arith.constant 0 : index
    %get3A_21 = vector.load %arg6[%get3A_18, %get3A_19, %get3A_20] : memref<1x128x64xf32, #tpu.memory_space<vmem>>, vector<1x128x64xf32>
    %get3A_22 = vector.shape_cast %get3A_21 : vector<1x128x64xf32> to vector<128x64xf32>
    %dot_general3A_23 = arith.constant dense<0.000000e+00> : vector<10000x64xf32>
    %dot_general3A_24 = tpu.matmul %get3A_1, %get3A_22, %dot_general3A_23 {dimension_numbers = #tpu.dot_dimension_numbers<[1], [0], [0], [1], [0, 0, 1, 1], [], []>, transpose_lhs_hint = false} : vector<10000x128xf32>, vector<128x64xf32>, vector<10000x64xf32> -> vector<10000x64xf32>
    %sub3A = arith.subf %dot_general3A_24, %dot_general3A_10 : vector<10000x64xf32>
    %reduce_min3A = arith.constant dense<0x7F800000> : vector<64xf32>
    %reduce_min3A_25 = vector.multi_reduction <minimumf>, %add3A, %reduce_min3A [0] : vector<10000x64xf32> to vector<64xf32>
    %broadcast_in_dim3A = vector.shape_cast %reduce_min3A_25 : vector<64xf32> to vector<1x64xf32>
    %sub3A_26 = vector.broadcast %broadcast_in_dim3A : vector<1x64xf32> to vector<10000x64xf32>
    %sub3A_27 = arith.subf %sub3A_26, %add3A : vector<10000x64xf32>
    %exp3A = math.exp %sub3A_27 : vector<10000x64xf32>
    %mul3A = arith.mulf %exp3A, %sub3A : vector<10000x64xf32>
    %concatenate3A = tpu.concatenate %exp3A, %mul3A in 1 : vector<10000x64xf32>, vector<10000x64xf32> -> vector<10000x128xf32>
    %swap3A = arith.constant 0 : index
    %swap3A_28 = arith.constant 0 : index
    %swap3A_29 = vector.load %arg7[%swap3A, %swap3A_28] : memref<10000x128xf32, #tpu.memory_space<vmem>>, vector<10000x128xf32>
    tpu.vector_store %arg7[%swap3A, %swap3A_28], %concatenate3A {strides = array<i32>} : memref<10000x128xf32, #tpu.memory_space<vmem>>, vector<10000x128xf32>,
    %get3A_30 = arith.constant 0 : index
    %get3A_31 = arith.constant 0 : index
    %get3A_32 = arith.constant 0 : index
    %get3A_33 = vector.load %arg4[%get3A_30, %get3A_31, %get3A_32] : memref<1x1x64xf32, #tpu.memory_space<vmem>>, vector<1x1x64xf32>
    %get3A_34 = vector.shape_cast %get3A_33 : vector<1x1x64xf32> to vector<1x64xf32>
    %add3A_35 = vector.broadcast %get3A_34 : vector<1x64xf32> to vector<10000x64xf32>
    %add3A_36 = arith.addf %dot_general3A_10, %add3A_35 : vector<10000x64xf32>
    %swap3A_37 = arith.constant 0 : index
    %swap3A_38 = arith.constant 0 : index
    %swap3A_39 = arith.constant 0 : index
    %swap3A_40 = vector.load %arg8[%swap3A_37, %swap3A_38, %swap3A_39] : memref<1x10000x64xf32, #tpu.memory_space<vmem>>, vector<1x10000x64xf32>
    %swap3A_41 = vector.shape_cast %swap3A_40 : vector<1x10000x64xf32> to vector<10000x64xf32>
    %swap3A_42 = vector.shape_cast %add3A_36 : vector<10000x64xf32> to vector<1x10000x64xf32>
    tpu.vector_store %arg8[%swap3A_37, %swap3A_38, %swap3A_39], %swap3A_42 {strides = array<i32>} : memref<1x10000x64xf32, #tpu.memory_space<vmem>>, vector<1x10000x64xf32>,
    return
  }
  func.func @transform_0(%arg0: i32) -> (i32, i32) {
    %c0_i32 = arith.constant 0 : i32
    %c0_i32_0 = arith.constant 0 : i32
    %c0_i32_1 = arith.constant 0 : i32
    return %c0_i32, %c0_i32_0 : i32, i32
  }
  func.func @transform_1(%arg0: i32) -> (i32, i32) {
    %c0_i32 = arith.constant 0 : i32
    %c0_i32_0 = arith.constant 0 : i32
    %c0_i32_1 = arith.constant 0 : i32
    return %c0_i32, %c0_i32_0 : i32, i32
  }
  func.func @transform_2(%arg0: i32) -> (i32, i32, i32) {
    %c0_i32 = arith.constant 0 : i32
    %c0_i32_0 = arith.constant 0 : i32
    %c0_i32_1 = arith.constant 0 : i32
    return %arg0, %c0_i32, %c0_i32_0 : i32, i32, i32
  }
  func.func @transform_3(%arg0: i32) -> (i32, i32, i32) {
    %c0_i32 = arith.constant 0 : i32
    %c0_i32_0 = arith.constant 0 : i32
    %c0_i32_1 = arith.constant 0 : i32
    return %arg0, %c0_i32, %c0_i32_0 : i32, i32, i32
  }
  func.func @transform_4(%arg0: i32) -> (i32, i32, i32) {
    %c0_i32 = arith.constant 0 : i32
    %c0_i32_0 = arith.constant 0 : i32
    %c0_i32_1 = arith.constant 0 : i32
    return %arg0, %c0_i32, %c0_i32_0 : i32, i32, i32
  }
  func.func @transform_5(%arg0: i32) -> (i32, i32, i32) {
    %c0_i32 = arith.constant 0 : i32
    %c0_i32_0 = arith.constant 0 : i32
    %c0_i32_1 = arith.constant 0 : i32
    return %arg0, %c0_i32, %c0_i32_0 : i32, i32, i32
  }
  func.func @transform_6(%arg0: i32) -> (i32, i32) {
    %c0_i32 = arith.constant 0 : i32
    %c0_i32_0 = arith.constant 0 : i32
    return %arg0, %c0_i32 : i32, i32
  }
  func.func @transform_7(%arg0: i32) -> (i32, i32, i32) {
    %c0_i32 = arith.constant 0 : i32
    %c0_i32_0 = arith.constant 0 : i32
    %c0_i32_1 = arith.constant 0 : i32
    return %arg0, %c0_i32, %c0_i32_0 : i32, i32, i32
  }
}

module attributes {stable_mosaic.version = 14 : i64} {
  func.func @_mid_body(%arg0: i32, %arg1: memref<10000x128xf32, #tpu.memory_space<vmem>>, %arg2: memref<10000x128xf32, #tpu.memory_space<vmem>>, %arg3: memref<2x10000x64xf32, #tpu.memory_space<vmem>>, %arg4: memref<10000x3xf32, #tpu.memory_space<vmem>>, %arg5: memref<1x3x64xf32, #tpu.memory_space<vmem>>, %arg6: memref<1x1x64xf32, #tpu.memory_space<vmem>>, %arg7: memref<1x128x64xf32, #tpu.memory_space<vmem>>, %arg8: memref<1x128x64xf32, #tpu.memory_space<vmem>>, %arg9: memref<10000x128xf32, #tpu.memory_space<vmem>>, %arg10: memref<1x10000x64xf32, #tpu.memory_space<vmem>>) attributes {dimension_semantics = [#tpu.dimension_semantics<arbitrary>], iteration_bounds = array<i64: 2>, scalar_prefetch = 0 : i64, scratch_operands = 0 : i64, tpu.core_type = #tpu.core_type<tc>, window_params = [{transform_indices = @transform_0, window_bounds = array<i64: 10000, 128>}, {transform_indices = @transform_1, window_bounds = array<i64: 10000, 128>}, {pipeline_mode = #tpu.pipeline_mode<synchronous>, transform_indices = @transform_2, window_bounds = array<i64: 2, 10000, 64>}, {pipeline_mode = #tpu.pipeline_mode<synchronous>, transform_indices = @transform_3, window_bounds = array<i64: 10000, 3>}, {transform_indices = @transform_4, window_bounds = array<i64: 1, 3, 64>}, {transform_indices = @transform_5, window_bounds = array<i64: 1, 1, 64>}, {transform_indices = @transform_6, window_bounds = array<i64: 1, 128, 64>}, {transform_indices = @transform_7, window_bounds = array<i64: 1, 128, 64>}, {transform_indices = @transform_8, window_bounds = array<i64: 10000, 128>}, {transform_indices = @transform_9, window_bounds = array<i64: 1, 10000, 64>}]} {
    %get3A = arith.constant 0 : index
    %get3A_0 = arith.constant 0 : index
    %get3A_1 = vector.load %arg1[%get3A, %get3A_0] : memref<10000x128xf32, #tpu.memory_space<vmem>>, vector<10000x64xf32>
    %get3A_2 = arith.constant 0 : index
    %get3A_3 = arith.constant 0 : index
    %get3A_4 = vector.load %arg2[%get3A_2, %get3A_3] : memref<10000x128xf32, #tpu.memory_space<vmem>>, vector<10000x64xf32>
    %concatenate3A = tpu.concatenate %get3A_1, %get3A_4 in 1 : vector<10000x64xf32>, vector<10000x64xf32> -> vector<10000x128xf32>
    %get3A_5 = arith.constant 0 : index
    %get3A_6 = arith.constant 64 : index
    %get3A_7 = vector.load %arg1[%get3A_5, %get3A_6] : memref<10000x128xf32, #tpu.memory_space<vmem>>, vector<10000x64xf32>
    %get3A_8 = arith.constant 0 : index
    %get3A_9 = arith.constant 64 : index
    %get3A_10 = vector.load %arg2[%get3A_8, %get3A_9] : memref<10000x128xf32, #tpu.memory_space<vmem>>, vector<10000x64xf32>
    %concatenate3A_11 = tpu.concatenate %get3A_7, %get3A_10 in 1 : vector<10000x64xf32>, vector<10000x64xf32> -> vector<10000x128xf32>
    %get3A_12 = arith.constant 0 : index
    %get3A_13 = arith.constant 0 : index
    %get3A_14 = arith.constant 0 : index
    %get3A_15 = vector.load %arg3[%get3A_12, %get3A_13, %get3A_14] : memref<2x10000x64xf32, #tpu.memory_space<vmem>>, vector<1x10000x64xf32>
    %get3A_16 = vector.shape_cast %get3A_15 : vector<1x10000x64xf32> to vector<10000x64xf32>
    %get3A_17 = arith.constant 1 : index
    %get3A_18 = arith.constant 0 : index
    %get3A_19 = arith.constant 0 : index
    %get3A_20 = vector.load %arg3[%get3A_17, %get3A_18, %get3A_19] : memref<2x10000x64xf32, #tpu.memory_space<vmem>>, vector<1x10000x64xf32>
    %get3A_21 = vector.shape_cast %get3A_20 : vector<1x10000x64xf32> to vector<10000x64xf32>
    %concatenate3A_22 = tpu.concatenate %get3A_16, %get3A_21 in 1 : vector<10000x64xf32>, vector<10000x64xf32> -> vector<10000x128xf32>
    %gt3A = arith.constant 0.000000e+00 : f32
    %gt3A_23 = vector.broadcast %gt3A : f32 to vector<10000x128xf32>
    %gt3A_24 = arith.cmpf ogt, %concatenate3A, %gt3A_23 : vector<10000x128xf32>
    %div3A = arith.divf %concatenate3A_11, %concatenate3A : vector<10000x128xf32>
    %add3A = arith.addf %div3A, %concatenate3A_22 : vector<10000x128xf32>
    %jit3A = arith.constant 0.000000e+00 : f32
    %broadcast_in_dim3A = vector.broadcast %jit3A : f32 to vector<10000x128xf32>
    %select_n3A = arith.select %gt3A_24, %add3A, %broadcast_in_dim3A : vector<10000x128xi1>, vector<10000x128xf32>
    %max3A = arith.constant 0.000000e+00 : f32
    %max3A_25 = vector.broadcast %max3A : f32 to vector<10000x128xf32>
    %max3A_26 = arith.maximumf %select_n3A, %max3A_25 : vector<10000x128xf32>
    %get3A_27 = arith.constant 0 : index
    %get3A_28 = arith.constant 0 : index
    %get3A_29 = vector.load %arg4[%get3A_27, %get3A_28] : memref<10000x3xf32, #tpu.memory_space<vmem>>, vector<10000x3xf32>
    %get3A_30 = arith.constant 0 : index
    %get3A_31 = arith.constant 0 : index
    %get3A_32 = arith.constant 0 : index
    %get3A_33 = vector.load %arg5[%get3A_30, %get3A_31, %get3A_32] : memref<1x3x64xf32, #tpu.memory_space<vmem>>, vector<1x3x64xf32>
    %get3A_34 = vector.shape_cast %get3A_33 : vector<1x3x64xf32> to vector<3x64xf32>
    %dot_general3A = arith.constant dense<0.000000e+00> : vector<10000x64xf32>
    %dot_general3A_35 = tpu.matmul %get3A_29, %get3A_34, %dot_general3A {dimension_numbers = #tpu.dot_dimension_numbers<[1], [0], [0], [1], [0, 0, 1, 1], [], []>, transpose_lhs_hint = false} : vector<10000x3xf32>, vector<3x64xf32>, vector<10000x64xf32> -> vector<10000x64xf32>
    %get3A_36 = arith.constant 0 : index
    %get3A_37 = arith.constant 0 : index
    %get3A_38 = arith.constant 0 : index
    %get3A_39 = vector.load %arg7[%get3A_36, %get3A_37, %get3A_38] : memref<1x128x64xf32, #tpu.memory_space<vmem>>, vector<1x128x64xf32>
    %get3A_40 = vector.shape_cast %get3A_39 : vector<1x128x64xf32> to vector<128x64xf32>
    %dot_general3A_41 = arith.constant dense<0.000000e+00> : vector<10000x64xf32>
    %dot_general3A_42 = tpu.matmul %max3A_26, %get3A_40, %dot_general3A_41 {dimension_numbers = #tpu.dot_dimension_numbers<[1], [0], [0], [1], [0, 0, 1, 1], [], []>, transpose_lhs_hint = false} : vector<10000x128xf32>, vector<128x64xf32>, vector<10000x64xf32> -> vector<10000x64xf32>
    %add3A_43 = arith.addf %dot_general3A_42, %dot_general3A_35 : vector<10000x64xf32>
    %get3A_44 = arith.constant 0 : index
    %get3A_45 = arith.constant 0 : index
    %get3A_46 = arith.constant 0 : index
    %get3A_47 = vector.load %arg8[%get3A_44, %get3A_45, %get3A_46] : memref<1x128x64xf32, #tpu.memory_space<vmem>>, vector<1x128x64xf32>
    %get3A_48 = vector.shape_cast %get3A_47 : vector<1x128x64xf32> to vector<128x64xf32>
    %dot_general3A_49 = arith.constant dense<0.000000e+00> : vector<10000x64xf32>
    %dot_general3A_50 = tpu.matmul %max3A_26, %get3A_48, %dot_general3A_49 {dimension_numbers = #tpu.dot_dimension_numbers<[1], [0], [0], [1], [0, 0, 1, 1], [], []>, transpose_lhs_hint = false} : vector<10000x128xf32>, vector<128x64xf32>, vector<10000x64xf32> -> vector<10000x64xf32>
    %sub3A = arith.subf %dot_general3A_50, %dot_general3A_35 : vector<10000x64xf32>
    %reduce_min3A = arith.constant dense<0x7F800000> : vector<64xf32>
    %reduce_min3A_51 = vector.multi_reduction <minimumf>, %add3A_43, %reduce_min3A [0] : vector<10000x64xf32> to vector<64xf32>
    %broadcast_in_dim3A_52 = vector.shape_cast %reduce_min3A_51 : vector<64xf32> to vector<1x64xf32>
    %sub3A_53 = vector.broadcast %broadcast_in_dim3A_52 : vector<1x64xf32> to vector<10000x64xf32>
    %sub3A_54 = arith.subf %sub3A_53, %add3A_43 : vector<10000x64xf32>
    %exp3A = math.exp %sub3A_54 : vector<10000x64xf32>
    %mul3A = arith.mulf %exp3A, %sub3A : vector<10000x64xf32>
    %concatenate3A_55 = tpu.concatenate %exp3A, %mul3A in 1 : vector<10000x64xf32>, vector<10000x64xf32> -> vector<10000x128xf32>
    %swap3A = arith.constant 0 : index
    %swap3A_56 = arith.constant 0 : index
    %swap3A_57 = vector.load %arg9[%swap3A, %swap3A_56] : memref<10000x128xf32, #tpu.memory_space<vmem>>, vector<10000x128xf32>
    tpu.vector_store %arg9[%swap3A, %swap3A_56], %concatenate3A_55 {strides = array<i32>} : memref<10000x128xf32, #tpu.memory_space<vmem>>, vector<10000x128xf32>,
    %get3A_58 = arith.constant 0 : index
    %get3A_59 = arith.constant 0 : index
    %get3A_60 = arith.constant 0 : index
    %get3A_61 = vector.load %arg6[%get3A_58, %get3A_59, %get3A_60] : memref<1x1x64xf32, #tpu.memory_space<vmem>>, vector<1x1x64xf32>
    %get3A_62 = vector.shape_cast %get3A_61 : vector<1x1x64xf32> to vector<1x64xf32>
    %add3A_63 = vector.broadcast %get3A_62 : vector<1x64xf32> to vector<10000x64xf32>
    %add3A_64 = arith.addf %dot_general3A_35, %add3A_63 : vector<10000x64xf32>
    %swap3A_65 = arith.constant 0 : index
    %swap3A_66 = arith.constant 0 : index
    %swap3A_67 = arith.constant 0 : index
    %swap3A_68 = vector.load %arg10[%swap3A_65, %swap3A_66, %swap3A_67] : memref<1x10000x64xf32, #tpu.memory_space<vmem>>, vector<1x10000x64xf32>
    %swap3A_69 = vector.shape_cast %swap3A_68 : vector<1x10000x64xf32> to vector<10000x64xf32>
    %swap3A_70 = vector.shape_cast %add3A_64 : vector<10000x64xf32> to vector<1x10000x64xf32>
    tpu.vector_store %arg10[%swap3A_65, %swap3A_66, %swap3A_67], %swap3A_70 {strides = array<i32>} : memref<1x10000x64xf32, #tpu.memory_space<vmem>>, vector<1x10000x64xf32>,
    return
  }
  func.func @transform_0(%arg0: i32) -> (i32, i32) {
    %c0_i32 = arith.constant 0 : i32
    %c0_i32_0 = arith.constant 0 : i32
    %c0_i32_1 = arith.constant 0 : i32
    return %c0_i32, %c0_i32_0 : i32, i32
  }
  func.func @transform_1(%arg0: i32) -> (i32, i32) {
    %c1_i32 = arith.constant 1 : i32
    %c0_i32 = arith.constant 0 : i32
    %c0_i32_0 = arith.constant 0 : i32
    return %c1_i32, %c0_i32 : i32, i32
  }
  func.func @transform_2(%arg0: i32) -> (i32, i32, i32) {
    %c0_i32 = arith.constant 0 : i32
    %c0_i32_0 = arith.constant 0 : i32
    %c0_i32_1 = arith.constant 0 : i32
    %c0_i32_2 = arith.constant 0 : i32
    return %c0_i32, %c0_i32_0, %c0_i32_1 : i32, i32, i32
  }
  func.func @transform_3(%arg0: i32) -> (i32, i32) {
    %c0_i32 = arith.constant 0 : i32
    %c0_i32_0 = arith.constant 0 : i32
    %c0_i32_1 = arith.constant 0 : i32
    return %c0_i32, %c0_i32_0 : i32, i32
  }
  func.func @transform_4(%arg0: i32) -> (i32, i32, i32) {
    %c0_i32 = arith.constant 0 : i32
    %c0_i32_0 = arith.constant 0 : i32
    %c0_i32_1 = arith.constant 0 : i32
    return %arg0, %c0_i32, %c0_i32_0 : i32, i32, i32
  }
  func.func @transform_5(%arg0: i32) -> (i32, i32, i32) {
    %c0_i32 = arith.constant 0 : i32
    %c0_i32_0 = arith.constant 0 : i32
    %c0_i32_1 = arith.constant 0 : i32
    return %arg0, %c0_i32, %c0_i32_0 : i32, i32, i32
  }
  func.func @transform_6(%arg0: i32) -> (i32, i32, i32) {
    %c0_i32 = arith.constant 0 : i32
    %c0_i32_0 = arith.constant 0 : i32
    %c0_i32_1 = arith.constant 0 : i32
    return %arg0, %c0_i32, %c0_i32_0 : i32, i32, i32
  }
  func.func @transform_7(%arg0: i32) -> (i32, i32, i32) {
    %c0_i32 = arith.constant 0 : i32
    %c0_i32_0 = arith.constant 0 : i32
    %c0_i32_1 = arith.constant 0 : i32
    return %arg0, %c0_i32, %c0_i32_0 : i32, i32, i32
  }
  func.func @transform_8(%arg0: i32) -> (i32, i32) {
    %c0_i32 = arith.constant 0 : i32
    %c0_i32_0 = arith.constant 0 : i32
    return %arg0, %c0_i32 : i32, i32
  }
  func.func @transform_9(%arg0: i32) -> (i32, i32, i32) {
    %c0_i32 = arith.constant 0 : i32
    %c0_i32_0 = arith.constant 0 : i32
    %c0_i32_1 = arith.constant 0 : i32
    return %arg0, %c0_i32, %c0_i32_0 : i32, i32, i32
  }
}

module attributes {stable_mosaic.version = 14 : i64} {
  func.func @_head_body(%arg0: i32, %arg1: memref<10000x128xf32, #tpu.memory_space<vmem>>, %arg2: memref<10000x128xf32, #tpu.memory_space<vmem>>, %arg3: memref<2x10000x64xf32, #tpu.memory_space<vmem>>, %arg4: memref<128x64xf32, #tpu.memory_space<vmem>>, %arg5: memref<1x64xf32, #tpu.memory_space<vmem>>, %arg6: memref<1x64xf32, #tpu.memory_space<vmem>>, %arg7: memref<1x1xf32, #tpu.memory_space<vmem>>, %arg8: memref<10000x1xf32, #tpu.memory_space<vmem>>) attributes {dimension_semantics = [#tpu.dimension_semantics<arbitrary>], iteration_bounds = array<i64: 1>, scalar_prefetch = 0 : i64, scratch_operands = 0 : i64, tpu.core_type = #tpu.core_type<tc>, window_params = [{transform_indices = @transform_0, window_bounds = array<i64: 10000, 128>}, {transform_indices = @transform_1, window_bounds = array<i64: 10000, 128>}, {pipeline_mode = #tpu.pipeline_mode<synchronous>, transform_indices = @transform_2, window_bounds = array<i64: 2, 10000, 64>}, {pipeline_mode = #tpu.pipeline_mode<synchronous>, transform_indices = @transform_3, window_bounds = array<i64: 128, 64>}, {pipeline_mode = #tpu.pipeline_mode<synchronous>, transform_indices = @transform_4, window_bounds = array<i64: 1, 64>}, {pipeline_mode = #tpu.pipeline_mode<synchronous>, transform_indices = @transform_5, window_bounds = array<i64: 1, 64>}, {pipeline_mode = #tpu.pipeline_mode<synchronous>, transform_indices = @transform_6, window_bounds = array<i64: 1, 1>}, {pipeline_mode = #tpu.pipeline_mode<synchronous>, transform_indices = @transform_7, window_bounds = array<i64: 10000, 1>}]} {
    %get3A = arith.constant 0 : index
    %get3A_0 = arith.constant 0 : index
    %get3A_1 = vector.load %arg1[%get3A, %get3A_0] : memref<10000x128xf32, #tpu.memory_space<vmem>>, vector<10000x64xf32>
    %get3A_2 = arith.constant 0 : index
    %get3A_3 = arith.constant 0 : index
    %get3A_4 = vector.load %arg2[%get3A_2, %get3A_3] : memref<10000x128xf32, #tpu.memory_space<vmem>>, vector<10000x64xf32>
    %concatenate3A = tpu.concatenate %get3A_1, %get3A_4 in 1 : vector<10000x64xf32>, vector<10000x64xf32> -> vector<10000x128xf32>
    %get3A_5 = arith.constant 0 : index
    %get3A_6 = arith.constant 64 : index
    %get3A_7 = vector.load %arg1[%get3A_5, %get3A_6] : memref<10000x128xf32, #tpu.memory_space<vmem>>, vector<10000x64xf32>
    %get3A_8 = arith.constant 0 : index
    %get3A_9 = arith.constant 64 : index
    %get3A_10 = vector.load %arg2[%get3A_8, %get3A_9] : memref<10000x128xf32, #tpu.memory_space<vmem>>, vector<10000x64xf32>
    %concatenate3A_11 = tpu.concatenate %get3A_7, %get3A_10 in 1 : vector<10000x64xf32>, vector<10000x64xf32> -> vector<10000x128xf32>
    %get3A_12 = arith.constant 0 : index
    %get3A_13 = arith.constant 0 : index
    %get3A_14 = arith.constant 0 : index
    %get3A_15 = vector.load %arg3[%get3A_12, %get3A_13, %get3A_14] : memref<2x10000x64xf32, #tpu.memory_space<vmem>>, vector<1x10000x64xf32>
    %get3A_16 = vector.shape_cast %get3A_15 : vector<1x10000x64xf32> to vector<10000x64xf32>
    %get3A_17 = arith.constant 1 : index
    %get3A_18 = arith.constant 0 : index
    %get3A_19 = arith.constant 0 : index
    %get3A_20 = vector.load %arg3[%get3A_17, %get3A_18, %get3A_19] : memref<2x10000x64xf32, #tpu.memory_space<vmem>>, vector<1x10000x64xf32>
    %get3A_21 = vector.shape_cast %get3A_20 : vector<1x10000x64xf32> to vector<10000x64xf32>
    %concatenate3A_22 = tpu.concatenate %get3A_16, %get3A_21 in 1 : vector<10000x64xf32>, vector<10000x64xf32> -> vector<10000x128xf32>
    %gt3A = arith.constant 0.000000e+00 : f32
    %gt3A_23 = vector.broadcast %gt3A : f32 to vector<10000x128xf32>
    %gt3A_24 = arith.cmpf ogt, %concatenate3A, %gt3A_23 : vector<10000x128xf32>
    %div3A = arith.divf %concatenate3A_11, %concatenate3A : vector<10000x128xf32>
    %add3A = arith.addf %div3A, %concatenate3A_22 : vector<10000x128xf32>
    %jit3A = arith.constant 0.000000e+00 : f32
    %broadcast_in_dim3A = vector.broadcast %jit3A : f32 to vector<10000x128xf32>
    %select_n3A = arith.select %gt3A_24, %add3A, %broadcast_in_dim3A : vector<10000x128xi1>, vector<10000x128xf32>
    %max3A = arith.constant 0.000000e+00 : f32
    %max3A_25 = vector.broadcast %max3A : f32 to vector<10000x128xf32>
    %max3A_26 = arith.maximumf %select_n3A, %max3A_25 : vector<10000x128xf32>
    %get3A_27 = arith.constant 0 : index
    %get3A_28 = arith.constant 0 : index
    %get3A_29 = vector.load %arg4[%get3A_27, %get3A_28] : memref<128x64xf32, #tpu.memory_space<vmem>>, vector<128x64xf32>
    %dot_general3A = arith.constant dense<0.000000e+00> : vector<10000x64xf32>
    %dot_general3A_30 = tpu.matmul %max3A_26, %get3A_29, %dot_general3A {dimension_numbers = #tpu.dot_dimension_numbers<[1], [0], [0], [1], [0, 0, 1, 1], [], []>, transpose_lhs_hint = false} : vector<10000x128xf32>, vector<128x64xf32>, vector<10000x64xf32> -> vector<10000x64xf32>
    %get3A_31 = arith.constant 0 : index
    %get3A_32 = arith.constant 0 : index
    %get3A_33 = vector.load %arg5[%get3A_31, %get3A_32] : memref<1x64xf32, #tpu.memory_space<vmem>>, vector<1x64xf32>
    %add3A_34 = vector.broadcast %get3A_33 : vector<1x64xf32> to vector<10000x64xf32>
    %add3A_35 = arith.addf %dot_general3A_30, %add3A_34 : vector<10000x64xf32>
    %max3A_36 = arith.constant 0.000000e+00 : f32
    %max3A_37 = vector.broadcast %max3A_36 : f32 to vector<10000x64xf32>
    %max3A_38 = arith.maximumf %add3A_35, %max3A_37 : vector<10000x64xf32>
    %get3A_39 = arith.constant 0 : index
    %get3A_40 = arith.constant 0 : index
    %get3A_41 = vector.load %arg6[%get3A_39, %get3A_40] : memref<1x64xf32, #tpu.memory_space<vmem>>, vector<1x64xf32>
    %mul3A = vector.broadcast %get3A_41 : vector<1x64xf32> to vector<10000x64xf32>
    %mul3A_42 = arith.mulf %max3A_38, %mul3A : vector<10000x64xf32>
    %reduce_sum3A = arith.constant dense<0.000000e+00> : vector<10000xf32>
    %reduce_sum3A_43 = vector.multi_reduction <add>, %mul3A_42, %reduce_sum3A [1] : vector<10000x64xf32> to vector<10000xf32>
    %broadcast_in_dim3A_44 = vector.shape_cast %reduce_sum3A_43 : vector<10000xf32> to vector<10000x1xf32>
    %get3A_45 = arith.constant 0 : index
    %get3A_46 = arith.constant 0 : index
    %get3A_47 = vector.load %arg7[%get3A_45, %get3A_46] : memref<1x1xf32, #tpu.memory_space<vmem>>, vector<1x1xf32>
    %add3A_48 = vector.broadcast %get3A_47 : vector<1x1xf32> to vector<10000x1xf32>
    %add3A_49 = arith.addf %broadcast_in_dim3A_44, %add3A_48 : vector<10000x1xf32>
    %swap3A = arith.constant 0 : index
    %swap3A_50 = arith.constant 0 : index
    %swap3A_51 = vector.load %arg8[%swap3A, %swap3A_50] : memref<10000x1xf32, #tpu.memory_space<vmem>>, vector<10000x1xf32>
    tpu.vector_store %arg8[%swap3A, %swap3A_50], %add3A_49 {strides = array<i32>} : memref<10000x1xf32, #tpu.memory_space<vmem>>, vector<10000x1xf32>,
    return
  }
  func.func @transform_0(%arg0: i32) -> (i32, i32) {
    %c0_i32 = arith.constant 0 : i32
    %c0_i32_0 = arith.constant 0 : i32
    %c0_i32_1 = arith.constant 0 : i32
    return %c0_i32, %c0_i32_0 : i32, i32
  }
  func.func @transform_1(%arg0: i32) -> (i32, i32) {
    %c1_i32 = arith.constant 1 : i32
    %c0_i32 = arith.constant 0 : i32
    %c0_i32_0 = arith.constant 0 : i32
    return %c1_i32, %c0_i32 : i32, i32
  }
  func.func @transform_2(%arg0: i32) -> (i32, i32, i32) {
    %c0_i32 = arith.constant 0 : i32
    %c0_i32_0 = arith.constant 0 : i32
    %c0_i32_1 = arith.constant 0 : i32
    %c0_i32_2 = arith.constant 0 : i32
    return %c0_i32, %c0_i32_0, %c0_i32_1 : i32, i32, i32
  }
  func.func @transform_3(%arg0: i32) -> (i32, i32) {
    %c0_i32 = arith.constant 0 : i32
    %c0_i32_0 = arith.constant 0 : i32
    %c0_i32_1 = arith.constant 0 : i32
    return %c0_i32, %c0_i32_0 : i32, i32
  }
  func.func @transform_4(%arg0: i32) -> (i32, i32) {
    %c0_i32 = arith.constant 0 : i32
    %c0_i32_0 = arith.constant 0 : i32
    %c0_i32_1 = arith.constant 0 : i32
    return %c0_i32, %c0_i32_0 : i32, i32
  }
  func.func @transform_5(%arg0: i32) -> (i32, i32) {
    %c0_i32 = arith.constant 0 : i32
    %c0_i32_0 = arith.constant 0 : i32
    %c0_i32_1 = arith.constant 0 : i32
    return %c0_i32, %c0_i32_0 : i32, i32
  }
  func.func @transform_6(%arg0: i32) -> (i32, i32) {
    %c0_i32 = arith.constant 0 : i32
    %c0_i32_0 = arith.constant 0 : i32
    %c0_i32_1 = arith.constant 0 : i32
    return %c0_i32, %c0_i32_0 : i32, i32
  }
  func.func @transform_7(%arg0: i32) -> (i32, i32) {
    %c0_i32 = arith.constant 0 : i32
    %c0_i32_0 = arith.constant 0 : i32
    %c0_i32_1 = arith.constant 0 : i32
    return %c0_i32, %c0_i32_0 : i32, i32
  }
}

</mosaic_0001>

<sc_bundles>
// kernel: kernel.10.cloned.1.call-start
scs
__scs_entry_jumppad:
0x0: {  	(pc) =	sbr.rel $0x88, $3  }
0x1: {  	(tag) =	ssettag $0x0;
	lr =	simm.s32 $0x1  }
0x2: {  	[smem:$0x3F92] =	sst lr;
	_ =	strace $0xD0000000  }
0x3: {  	_ = 	snop  }
0x4: {  	_ = 	snop  }
0x5: {  	_ = 	snop  }
0x6: {  	_ = 	snop  }
0x7: {  	_ = 	snop  }
__scs_overlays_trampoline_lowered:
0x8: {  	[smem:$0x3FA1] =	sst s0  }
0x9: {  	[smem:$0x3FA2] =	sst s1  }
0xa: {  	[smem:$0x3FA3] =	sst s2  }
0xb: {  	[smem:$0x3FA4] =	sst s3  }
0xc: {  	[smem:$0x3FA5] =	sst s4  }
0xd: {  	[smem:$0x3FA6] =	sst s5  }
0xe: {  	[smem:$0x3FA7] =	sst s6  }
0xf: {  	[smem:$0x3FA8] =	sst s7  }
0x10: {  	[smem:$0x3FA9] =	sst s8  }
0x11: {  	[smem:$0x3FAA] =	sst s9;
	s0 =	simm.s32 @!p0 $0x0  }
0x12: {  	s1 =	sld [smem:$0x3F90];
	s0 =	simm.s32 @p0 $0x1  }
0x13: {  	[smem:$0x3FAB] =	sst s0;
	s0 =	simm.s32 @!p1 $0x0  }
0x14: {  	s2 =	sld [smem:$0x3F8F];
	s0 =	simm.s32 @p1 $0x1  }
0x15: {  	[smem:$0x3FAC] =	sst s0;
	s0 =	simm.s32 @!p2 $0x0  }
0x16: {  	s3 =	sld [smem:$0x3FDB];
	s0 =	simm.s32 @p2 $0x1  }
0x17: {  	s4 =	simm.s32 $0x1BF5;
	[smem:$0x3FAE] =	sst s0  }
0x18: {  	s0 =	sld [smem:$0x3F91];
	_ =	swait.ge [sflag:s4], $0x0  }
0x19: {  	s7 =	sld [smem:$0x3F92]  }
0x1a: {  	s8 =	sadd.s32 $0xFFFFE003, lr  }
0x1b: {  	s9 =	sadd.s32 $0xFFFFFEF7, lr;
	s5 =	simm.s32 $0xFFFFFFFF;
	p2 =	slt.u32 s8, $0xFFFFF086  }
0x1c: {  	p1 =	slt.u32 s9, $0xF7A;
	s5 =	simm.s32 @!p2 $0x0  }
0x1d: {  	s5 =	simm.s32 @p1 $0x1;
	p0 =	seq.s32 s7, s2  }
0x1e: {  	s7 =	smul.u32 @!p0 $0xF7A, s2;
	p2 =	seq.s32 @!p0 s5, $0x0  }
0x1f: {  	s9 =	smul.u32 $0xF7A, s1;
	s8 =	simm.s32 @!p0 $0x1BF5;
	p2 =	por !p2, p0  }
0x20: {  	[sflag:s8] =	ssyncset.s32 @!p0 $0xFFFFF086;
	s6 =	sadd.s32 @!p0 s3, s7;
	s7 =	simm.s32 @!p0 $0x108  }
0x21: {  	s3 =	sadd.s32 s3, s9;
	s6 =	sadd.s32 @!p0 $0x88, s6;
	s7 =	simm.s32 @p2 $0x1082  }
0x22: {  	[simem:s7], [sflag:s8] =	dma.local @!p0 [hbm:s6], $0xF7A  }
0x23: {  	s9 =	sor.u32 $0xD0000000, s2;
	s6 =	simm.s32 $0x108;
	_ =	swait.ge @!p0 [sflag:s8], $0x0  }
0x24: {  	s3 =	sadd.s32 $0x88, s3;
	s6 =	simm.s32 @!p1 $0x1082;
	[sflag:s4] =	ssyncset.s32 $0xFFFFF086  }
0x25: {  	[simem:s6], [sflag:s4] =	dma.local [hbm:s3], $0xF7A  }
0x26: {  	[smem:$0x3F92] =	sst s1;
	(tag) =	ssettag s2;
	_ =	strace s9  }
0x27: {  	s1 =	sld [smem:$0x3FA2]  }
0x28: {  	s2 =	sld [smem:$0x3FA3]  }
0x29: {  	s4 =	sld [smem:$0x3FA5]  }
0x2a: {  	p0 =	seq.s32 s5, $0x0;
	s5 =	sld [smem:$0x3FA6]  }
0x2b: {  	s6 =	sld [smem:$0x3FA7]  }
0x2c: {  	s7 =	sld [smem:$0x3FA8]  }
0x2d: {  	s3 =	simm.s32 $0x108;
	s8 =	sld [smem:$0x3FA9]  }
0x2e: {  	s3 =	simm.s32 @!p0 $0x1082;
	s9 =	sld [smem:$0x3FAA]  }
0x2f: {  	lr =	sadd.s32 s0, s3;
	s0 =	sld [smem:$0x3FA1]  }
0x30: {  	s3 =	sld [smem:$0x3FA4]  }
0x31: {  	[smem:$0x3FAD] =	sst s10  }
0x32: {  	s10 =	sld [smem:$0x3FAB];
	_ =	sdelay $0x3  }
0x33: {  	p0 =	seq.s32 s10, $0x1;
	s10 =	sld [smem:$0x3FAD];
	_ =	sdelay $0x3  }
0x34: {  	[smem:$0x3FAD] =	sst s10  }
0x35: {  	s10 =	sld [smem:$0x3FAC];
	_ =	sdelay $0x3  }
0x36: {  	p1 =	seq.s32 s10, $0x1;
	s10 =	sld [smem:$0x3FAD];
	_ =	sdelay $0x3  }
0x37: {  	[smem:$0x3FAD] =	sst s10  }
0x38: {  	s10 =	sld [smem:$0x3FAE]  }
0x39: {  	_ = 	snop;
	(pc) =	sbr.ind lr, $3  }
0x3a: {  	_ = 	snop  }
0x3b: {  	_ = 	snop  }
0x3c: {  	p2 =	seq.s32 s10, $0x1;
	s10 =	sld [smem:$0x3FAD]  }
0x3d: {  	_ =	shalt  }
0x3e: {  	_ =	shalt  }
0x3f: {  	_ =	shalt  }
0x40: {  	_ =	shalt  }
0x41: {  	_ =	shalt  }
0x42: {  	_ =	shalt  }
0x43: {  	_ =	shalt  }
0x44: {  	_ =	shalt  }
0x45: {  	_ =	shalt  }
0x46: {  	_ =	shalt  }
0x47: {  	_ =	shalt  }
0x48: {  	_ =	shalt  }
0x49: {  	_ =	shalt  }
0x4a: {  	_ =	shalt  }
0x4b: {  	_ =	shalt  }
0x4c: {  	_ =	shalt  }
0x4d: {  	_ =	shalt  }
0x4e: {  	_ =	shalt  }
0x4f: {  	_ =	shalt  }
0x50: {  	_ =	shalt  }
0x51: {  	_ =	shalt  }
0x52: {  	_ =	shalt  }
0x53: {  	_ =	shalt  }
0x54: {  	_ =	shalt  }
0x55: {  	_ =	shalt  }
0x56: {  	_ =	shalt  }
0x57: {  	_ =	shalt  }
0x58: {  	_ =	shalt  }
0x59: {  	_ =	shalt  }
0x5a: {  	_ =	shalt  }
0x5b: {  	_ =	shalt  }
0x5c: {  	_ =	shalt  }
0x5d: {  	_ =	shalt  }
0x5e: {  	_ =	shalt  }
0x5f: {  	_ =	shalt  }
0x60: {  	_ =	shalt  }
0x61: {  	_ =	shalt  }
0x62: {  	_ =	shalt  }
0x63: {  	_ =	shalt  }
0x64: {  	_ =	shalt  }
0x65: {  	_ =	shalt  }
0x66: {  	_ =	shalt  }
0x67: {  	_ =	shalt  }
0x68: {  	_ =	shalt  }
0x69: {  	_ =	shalt  }
0x6a: {  	_ =	shalt  }
0x6b: {  	_ =	shalt  }
0x6c: {  	_ =	shalt  }
0x6d: {  	_ =	shalt  }
0x6e: {  	_ =	shalt  }
0x6f: {  	_ =	shalt  }
0x70: {  	_ =	shalt  }
0x71: {  	_ =	shalt  }
0x72: {  	_ =	shalt  }
0x73: {  	_ =	shalt  }
0x74: {  	_ =	shalt  }
0x75: {  	_ =	shalt  }
0x76: {  	_ =	shalt  }
0x77: {  	_ =	shalt  }
0x78: {  	_ =	shalt  }
0x79: {  	_ =	shalt  }
0x7a: {  	_ =	shalt  }
0x7b: {  	_ =	shalt  }
0x7c: {  	_ =	shalt  }
0x7d: {  	_ =	shalt  }
0x7e: {  	_ =	shalt  }
0x7f: {  	_ =	shalt  }
0x80: {  	_ =	shalt  }
0x81: {  	_ =	shalt  }
0x82: {  	_ =	shalt  }
0x83: {  	_ =	shalt  }
0x84: {  	_ =	shalt  }
0x85: {  	_ =	shalt  }
0x86: {  	_ =	shalt  }
0x87: {  	_ =	shalt  }
.Lfunc_end0:
.L_simem_size_0:
called_computation.1_lowered:
.L_overlay_start_0:
0x88: {  	s2 =	sld [smem:$0x3FD9]  }
0x89: {  	s3 =	sld [smem:$0x3FFE];
	_ =	sdelay $0x1  }
0x8a: {  	s1 =	srdreg.scid  }
0x8b: {  	s0 =	sand.u32 $0x1, s1  }
0x8c: {  	s16 =	sshll.u32 s0, $0xA;
	s2 =	sadd.s32 s3, s2  }
0x8d: {  	s2 =	sadd.s32 s2, s16  }
0x8e: {  	[smem:$0x3FB9] =	sst s2  }
0x8f: {  	_ = 	snop  }
0x90: {  	(tm) =	ssettm $0x1  }
0x91: {  	s17 =	sld [smem:$0x3FFB];
	_ =	sdelay $0x3  }
0x92: {  	_ =	strace s17  }
0x93: {  	s2 =	sld [smem:$0x3FFC];
	_ =	sdelay $0x3  }
0x94: {  	_ =	strace s2  }
0x95: {  	s2 =	sld [smem:$0x3FFD];
	_ =	sdelay $0x3  }
0x96: {  	_ =	strace s2  }
0x97: {  	_ =	strace $0x8FFFFFFF  }
0x98: {  	s18 =	sld [smem:$0x3FDB];
	_ =	sdelay $0x1  }
0x99: {  	s19 =	simm.s32 $_scs_section_size  }
0x9a: {  	s4 =	simm.s32 $_size__tile_overlayer_lowered;
	s5 =	simm.s32 $_tile_overlayer_lowered  }
0x9b: {  	s22 =	simm.s32 $0x1BFF;
	s21 =	sshll.u32 s5, $0x1;
	s2 =	sadd.s32 s19, s18  }
0x9c: {  	s6 =	simm.s32 $0x0;
	s20 =	sshll.u32 s4, $0x1;
	s4 =	sadd.s32 s21, s2  }
0x9d: {  	[timem:s6], [sflag:s22] =	dma.local [hbm:s4], s20  }
0x9e: {  	_ =	swait.ge [sflag:s22], s20  }
0x9f: {  	s3 =	ssub.s32 $0x0, s20;
	[sflag:s22] =	ssyncset.done $0x0  }
0xa0: {  	[sflag:s22] =	ssyncadd.s32 s3;
	_ =	sdelay $0x1  }
0xa1: {  	s23 =	simm.s32 $0x1B8B  }
0xa2: {  	_ =	swait.ge [sflag:s23], $0x1  }
0xa3: {  	[sflag:s23] =	ssyncset.done $0x0  }
0xa4: {  	s25 =	simm.s32 $0x1B8E;
	s24 =	sld [smem:$0x3FFE];
	[sflag:s23] =	ssyncadd.s32 $0xFFFFFFFF  }
0xa5: {  	s26 =	simm.s32 $execute0_lowered;
	[smem:$0x3FD2] =	sst s25  }
0xa6: {  	s4 =	sshll.u32 s26, $0x1;
	_ =	strace $0x80000049;
	[dreg:$0x1] =	wrdreg $0xFFFFFFFF  }
0xa7: {  	s28 =	simm.s32 $_size_execute0_lowered;
	s2 =	sadd.s32 s2, s4;
	[dreg:$0x0] =	wrdreg $0x0  }
0xa8: {  	s4 =	sshll.u32 s28, $0x1;
	[dreg:$0x2] =	wrdreg s2  }
0xa9: {  	[dreg:$0x3] =	wrdreg s4  }
0xaa: {  	[dreg:$0x4] =	wrdreg $0xC0  }
0xab: {  	_ =	task [dreg:s6], $0x5FFFF  }
0xac: {  	[dreg:$0x1] =	wrdreg $0xFFFFFFFF  }
0xad: {  	[dreg:$0x0] =	wrdreg $0x60  }
0xae: {  	[dreg:$0x2] =	wrdreg s24  }
0xaf: {  	[dreg:$0x3] =	wrdreg $0x0  }
0xb0: {  	[dreg:$0x4] =	wrdreg $0x9  }
0xb1: {  	_ =	task.clear_ibuf [dreg:s6], $0x5FFFF;
	_ =	strace $0x90000049  }
0xb2: {  	s29 =	simm.s32 $0x9;
	_ =	strace $0x8000004B  }
0xb3: {  	_ =	swait.ge [sflag:s29], $0x1  }
0xb4: {  	[sflag:s29] =	ssyncadd.s32 $0xFFFFFFFF  }
0xb5: {  	_ =	strace $0x9000004B  }
0xb6: {  	_ =	sfence  }
0xb7: {  	s30 =	sld [smem:$0x0];
	_ =	sdelay $0x2  }
0xb8: {  	s31 =	sshll.u32 s1, $0xD;
	s1 =	sshrl.u32 s1, $0x2  }
0xb9: {  	s3 =	sand.u32 $0x4000, s31;
	s1 =	sadd.s32 s1, s30  }
0xba: {  	s0 =	sor.u32 s3, s0;
	s1 =	sshll.u32 s1, $0x11  }
0xbb: {  	s0 =	sor.u32 s1, s0  }
0xbc: {  	s0 =	sadd.s32 $0x8F2B, s0  }
0xbd: {  	[sflag:s0] =	ssyncadd.remote.s32 $0x1  }
0xbe: {  	_ =	sfence.sel $0xFFFF  }
0xbf: {  	[dreg:$0x0] =	wrdreg $0xFFFFFFFF;
	(pc) =	sbr.abs _section_cstart, $3  }
0xc0: {  	[dreg:$0x1] =	wrdreg $0xFFFFFFFF  }
0xc1: {  	_ =	task.clear_ibuf [dreg:s6], $0x2FFFF;
	_ =	strace $0x9FFFFFFF  }
0xc2: {  	(tm) =	ssettm $0x7FFFFFFF  }
0xc3: {  	_ =	shalt  }
tec
execute0_lowered:
.L_overlay_start_1:
0x0: {  	(tag) =	ssettag $0x1  }
0x1: {  	s0 =	rddreg [dreg:$0x0]  }
0x2: {  	s1 =	rddreg [dreg:$0x1]  }
0x3: {  	s2 =	simm.s32 $0x0;
	s3 =	srdreg.scid;
	s12 =	stileid.u32  }
0x4: {  	s19 =	simm.s32 $0x18800;
	s20 =	simm.s32 $0x3;
	s21 =	simm.s32 $0x13880  }
0x5: {  	s28 =	simm.s32 $0x2;
	s29 =	simm.s32 $0x18670;
	s30 =	simm.s32 $0x186C0  }
0x6: {  	s31 =	simm.s32 $0x0;
	[smem:$0x7FF] =	sst s2;
	s3 =	sand.u32 $0x1, s3  }
0x7: {  	s4 =	sadd.s32 $0x3FA00, s0;
	s7 =	smul.u32 $0x280, s12;
	s5 =	sadd.s32 $0x2A000, s0  }
0x8: {  	s10 =	smul.u32 $0x50000, s12;
	s0 =	sadd.s32 $0x8DC00, s0;
	p0 =	seq.s32 s12, $0xF  }
0x9: {  	_ =	strace $0x8000004A;
	s8 =	smul.u32 $0x2710, s3;
	s6 =	ssub.s32 $0x2, s3  }
0xa: {  	s3 =	smul.u32 $0x138800, s3;
	s9 =	sshrl.u32 s6, $0x1;
	s22 =	sshrl.u32 s10, $0x2  }
0xb: {  	s10 =	sadd.s32 $0x133800, s1;
	s11 =	ssub.s32 s6, s9;
	s6 =	smul.u32 $0x4E20, s12  }
0xc: {  	s23 =	sadd.s32 s7, s8;
	s7 =	sadd.s32 s22, s1;
	s3 =	sshrl.u32 s3, $0x3  }
0xd: {  	s22 =	simm.s32 $0x16000;
	s24 =	sshll.u32 s23, $0x4;
	s25 =	smax.u32 s11, $0x1  }
0xe: {  	s26 =	sadd.s32 $0x2800, s7;
	s13 =	sadd.s32 $0x5000, s7;
	s14 =	sadd.s32 $0x7800, s7  }
0xf: {  	s15 =	sadd.s32 $0xA000, s7;
	s16 =	sadd.s32 $0xC800, s7;
	s17 =	sadd.s32 $0xF000, s7  }
0x10: {  	s18 =	sadd.s32 $0x11800, s7;
	s23 =	simm.s32 $0x50;
	[dreg:$0x5] =	wrdreg s25  }
0x11: {  	s9 =	sadd.s32 s0, s24;
	s0 =	sadd.s32 s0, s3;
	[dreg:$0x6] =	wrdreg s26  }
0x12: {  	s3 =	sadd.s32 $0x131000, s1;
	s17 =	smov.u32 @p0 s10;
	s24 =	simm.s32 $0x1B000  }
0x13: {  	s25 =	simm.s32 $0x1;
	[dreg:$0x3] =	wrdreg s9;
	s0 =	sadd.s32 $0x25800, s0  }
0x14: {  	s26 =	simm.s32 $0x18780;
	[dreg:$0x4] =	wrdreg s0;
	s0 =	sadd.s32 $0x12E800, s1  }
0x15: {  	s9 =	sadd.s32 $0x12C000, s1;
	s15 =	smov.u32 @p0 s0;
	s0 =	sadd.s32 $0x136000, s1  }
0x16: {  	v1 =	vimm.f32 $0.0e+00;
	v0 =	vmov s8;
	s16 =	smov.u32 @p0 s3;
	s14 =	smov.u32 @p0 s9;
	s18 =	smov.u32 @p0 s0  }
.LBB2_1:
0x17: {  	s0 =	simm.s32 $0x0;
	s3 =	simm.s32 $0x200  }
.LBB2_2:
0x18: {  	p1 =	sne.s32 s3, $0x9E00;
	[tilespmem:s0+$0x18870] =	vst v1  }
0x19: {  	[tilespmem:s0+$0x18800] =	vst v1  }
0x1a: {  	[tilespmem:s0+$0x18810] =	vst v1  }
.Ltmp0:
0x1b: {  	[tilespmem:s0+$0x18820] =	vst v1;
	(pc) =	sbr.rel @p1 .LBB2_2-.Ltmp0, $4  }
0x1c: {  	[tilespmem:s0+$0x18830] =	vst v1  }
0x1d: {  	[tilespmem:s0+$0x18840] =	vst v1  }
0x1e: {  	[tilespmem:s0+$0x18850] =	vst v1  }
0x1f: {  	[tilespmem:s0+$0x18860] =	vst v1;
	s0 =	sshra.s32 s3, $0x2;
	s3 =	sadd.s32 $0x200, s3  }
0x20: {  	[tilespmem:s0+$0x18870] =	vst v1  }
0x21: {  	[tilespmem:s0+$0x18800] =	vst v1  }
0x22: {  	[tilespmem:s0+$0x18810] =	vst v1  }
0x23: {  	[tilespmem:s0+$0x18820] =	vst v1  }
0x24: {  	[tilespmem:s0+$0x18830] =	vst v1  }
0x25: {  	[tilespmem:s0+$0x18840] =	vst v1  }
0x26: {  	[tilespmem:s0+$0x18850] =	vst v1  }
0x27: {  	[tilespmem:s0+$0x18860] =	vst v1;
	s0 =	simm.s32 @!p0 $0x18800;
	s3 =	simm.s32 @!p0 $0x3  }
0x28: {  	[spmem:s7] =	stream.linear.scatter @!p0 [tilespmem:s0], [sflag:$0x3], $0x2800, $0x38;
	[tilespmem:$0x1D800] =	vst v63  }
0x29: {  	_ =	swait.ge @!p0 [sflag:s3], $0x2800  }
0x2a: {  	[sflag:s3] =	ssyncset.done @!p0 $0x0  }
0x2b: {  	s8 =	rddreg [dreg:$0x6];
	[sflag:s3] =	ssyncadd.s32 @!p0 $0xFFFFD800  }
0x2c: {  	[spmem:s8] =	stream.linear.scatter @!p0 [tilespmem:s0], [sflag:$0x3], $0x2800, $0x38;
	[tilespmem:$0x1D800] =	vst v63  }
0x2d: {  	_ =	swait.ge @!p0 [sflag:s3], $0x2800  }
0x2e: {  	[sflag:s3] =	ssyncset.done @!p0 $0x0  }
0x2f: {  	[sflag:s3] =	ssyncadd.s32 @!p0 $0xFFFFD800  }
0x30: {  	[spmem:s13] =	stream.linear.scatter @!p0 [tilespmem:s0], [sflag:$0x3], $0x2800, $0x38;
	[tilespmem:$0x1D800] =	vst v63  }
0x31: {  	_ =	swait.ge @!p0 [sflag:s3], $0x2800  }
0x32: {  	[sflag:s3] =	ssyncset.done @!p0 $0x0  }
0x33: {  	[sflag:s3] =	ssyncadd.s32 @!p0 $0xFFFFD800  }
0x34: {  	[spmem:s14] =	stream.linear.scatter [tilespmem:s19], [sflag:$0x3], $0x2800, $0x38;
	[tilespmem:$0x1D800] =	vst v63  }
0x35: {  	_ =	swait.ge [sflag:s20], $0x2800  }
0x36: {  	[sflag:s20] =	ssyncset.done $0x0  }
0x37: {  	[sflag:s20] =	ssyncadd.s32 $0xFFFFD800  }
0x38: {  	[spmem:s15] =	stream.linear.scatter [tilespmem:s19], [sflag:$0x3], $0x2800, $0x38;
	[tilespmem:$0x1D800] =	vst v63  }
0x39: {  	_ =	swait.ge [sflag:s20], $0x2800  }
0x3a: {  	[sflag:s20] =	ssyncset.done $0x0  }
0x3b: {  	[sflag:s20] =	ssyncadd.s32 $0xFFFFD800  }
0x3c: {  	[spmem:s16] =	stream.linear.scatter [tilespmem:s19], [sflag:$0x3], $0x2800, $0x38;
	[tilespmem:$0x1D800] =	vst v63  }
0x3d: {  	_ =	swait.ge [sflag:s20], $0x2800  }
0x3e: {  	[sflag:s20] =	ssyncset.done $0x0  }
0x3f: {  	[sflag:s20] =	ssyncadd.s32 $0xFFFFD800  }
0x40: {  	[spmem:s17] =	stream.linear.scatter [tilespmem:s19], [sflag:$0x3], $0x2800, $0x38;
	[tilespmem:$0x1D800] =	vst v63  }
0x41: {  	_ =	swait.ge [sflag:s20], $0x2800  }
0x42: {  	[sflag:s20] =	ssyncset.done $0x0  }
0x43: {  	[sflag:s20] =	ssyncadd.s32 $0xFFFFD800  }
0x44: {  	[spmem:s18] =	stream.linear.scatter [tilespmem:s19], [sflag:$0x3], $0x2800, $0x38;
	[tilespmem:$0x1D800] =	vst v63  }
0x45: {  	_ =	swait.ge [sflag:s20], $0x2800  }
0x46: {  	[sflag:s20] =	ssyncset.done $0x0  }
0x47: {  	[sflag:s20] =	ssyncadd.s32 $0xFFFFD800  }
0x48: {  	p2 =	por $0x1, $0x1;
	s0 =	simm.s32 $0x0;
	[bflag:$0x0] =	sbarrier.arrive $0xFFFF  }
.LBB2_4:
0x49: {  	s0 =	sadd.s32 s6, s0  }
0x4a: {  	s0 =	sshrl.u32 s0, $0x3  }
0x4b: {  	s0 =	sadd.s32 s5, s0  }
0x4c: {  	s3 =	sadd.s32 $0x9C40, s0  }
0x4d: {  	[tilespmem:s21], [sflag:$0x3] =	stream.linear.gather [hbm4b:s3+s31], $0x2710, $0x38;
	[tilespmem:$0x1D800] =	vst v63  }
0x4e: {  	_ =	swait.ge [sflag:s20], $0x2710  }
0x4f: {  	[sflag:s20] =	ssyncset.done $0x0  }
0x50: {  	[sflag:s20] =	ssyncadd.s32 $0xFFFFD8F0  }
0x51: {  	[tilespmem:s22], [sflag:$0x3] =	stream.linear.gather [hbm4b:s0+s31], $0x2710, $0x38;
	[tilespmem:$0x1D800] =	vst v63  }
0x52: {  	_ =	swait.ge [sflag:s20], $0x2710  }
0x53: {  	p1 =	por p2, p2;
	[sflag:s20] =	ssyncset.done $0x0  }
0x54: {  	s3 =	simm.s32 $0x40;
	s0 =	simm.s32 $0x0;
	[sflag:s20] =	ssyncadd.s32 $0xFFFFD8F0  }
.LBB2_5:
0x55: {  	p2 =	sne.s32 s3, $0x9C00;
	v2 =	vld [tilespmem:s0+$0x16000];
	_ =	sdelay $0x1  }
.Ltmp1:
0x56: {  	(pc) =	sbr.rel @p2 .LBB2_5-.Ltmp1, $3  }
0x57: {  	_ =	sdelay $0x1  }
0x58: {  	v2 =	vadd.s32 v0, v2  }
0x59: {  	[tilespmem:s0+$0x16000] =	vst v2;
	s0 =	sshra.s32 s3, $0x2;
	s3 =	sadd.s32 $0x40, s3  }
0x5a: {  	v2 =	vld [tilespmem:s0+$0x16000];
	_ =	sdelay $0x4  }
0x5b: {  	v2 =	vadd.s32 v0, v2  }
0x5c: {  	[tilespmem:s0+$0x16000] =	vst v2  }
0x5d: {  	[tilespmem:s19], [sflag:$0x1] =	stream.indirect.gather [hbm4b:s4+s23], $0x80, s22, s23, $0xb8;
	[tilespmem:$0x1D800] =	vst v63  }
0x5e: {  	s3 =	simm.s32 $0x16050;
	s0 =	simm.s32 $0x138D0  }
0x5f: {  	[tilespmem:s24], [sflag:$0x2] =	stream.indirect.gather [hbm4b:s4+s23], $0x80, s3, s23, $0xb8;
	[tilespmem:$0x1D800] =	vst v63  }
0x60: {  	v2 =	vld [tilespmem:s0+$0xFFFFFFB0];
	_ =	sdelay $0x4  }
0x61: {  	[tilespmem:$0x18780] =	vst v2  }
0x62: {  	v2 =	vld [tilespmem:s0+$0xFFFFFFC0];
	_ =	sdelay $0x4  }
0x63: {  	[tilespmem:$0x18790] =	vst v2  }
0x64: {  	v2 =	vld [tilespmem:s0+$0xFFFFFFD0];
	_ =	sdelay $0x4  }
0x65: {  	[tilespmem:$0x187A0] =	vst v2  }
0x66: {  	v2 =	vld [tilespmem:s0+$0xFFFFFFE0];
	_ =	sdelay $0x4  }
0x67: {  	[tilespmem:$0x187B0] =	vst v2  }
0x68: {  	v2 =	vld [tilespmem:s0+$0xFFFFFFF0];
	_ =	sdelay $0x4  }
0x69: {  	[tilespmem:$0x187C0] =	vst v2  }
0x6a: {  	_ =	swait.ge [sflag:s25], $0x2800  }
0x6b: {  	[sflag:s25] =	ssyncset.done $0x0  }
0x6c: {  	[sflag:s25] =	ssyncadd.s32 $0xFFFFD800  }
0x6d: {  	[spmem:s1] =	stream.indirect.scatter.add.f32 [tilespmem:s19], [sflag:$0x3], $0x80, s26, s23, $0xb8;
	[tilespmem:$0x1D800] =	vst v63  }
0x6e: {  	_ =	swait.ge [sflag:s20], $0x2800  }
0x6f: {  	[sflag:s20] =	ssyncset.done $0x0  }
0x70: {  	s11 =	simm.s32 $0x160A0;
	[sflag:s20] =	ssyncadd.s32 $0xFFFFD800  }
0x71: {  	[tilespmem:s19], [sflag:$0x1] =	stream.indirect.gather [hbm4b:s4+s23], $0x80, s11, s23, $0xb8;
	[tilespmem:$0x1D800] =	vst v63  }
0x72: {  	v2 =	vld [tilespmem:s0+$0x0];
	_ =	sdelay $0x4  }
0x73: {  	[tilespmem:$0x18780] =	vst v2  }
0x74: {  	v2 =	vld [tilespmem:s0+$0x10];
	_ =	sdelay $0x4  }
0x75: {  	[tilespmem:$0x18790] =	vst v2  }
0x76: {  	v2 =	vld [tilespmem:s0+$0x20];
	_ =	sdelay $0x3  }
0x77: {  	s12 =	simm.s32 $0x0  }
0x78: {  	s3 =	sand.u32 $0x3FE0, s12;
	[tilespmem:$0x187A0] =	vst v2  }
0x79: {  	v2 =	vld [tilespmem:s3+$0x13900];
	_ =	sdelay $0x4  }
0x7a: {  	[tilespmem:$0x187B0] =	vst v2  }
0x7b: {  	v2 =	vld [tilespmem:s0+$0x40];
	_ =	sdelay $0x4  }
0x7c: {  	[tilespmem:$0x187C0] =	vst v2  }
0x7d: {  	_ =	swait.ge [sflag:s28], $0x2800  }
0x7e: {  	[sflag:s28] =	ssyncset.done $0x0  }
0x7f: {  	[sflag:s28] =	ssyncadd.s32 $0xFFFFD800  }
0x80: {  	[spmem:s1] =	stream.indirect.scatter.add.f32 [tilespmem:s24], [sflag:$0x3], $0x80, s26, s23, $0xb8;
	[tilespmem:$0x1D800] =	vst v63  }
0x81: {  	s10 =	simm.s32 $0x140;
	_ =	swait.ge [sflag:s20], $0x2800  }
0x82: {  	s8 =	simm.s32 $0x16140;
	s3 =	simm.s32 $0xA0;
	[sflag:s20] =	ssyncset.done $0x0  }
.LBB2_7:
0x83: {  	s11 =	sadd.s32 $0xFFFFFFB0, s8;
	[sflag:s20] =	ssyncadd.s32 $0xFFFFD800;
	s0 =	sadd.s32 $0xA0, s0  }
0x84: {  	[tilespmem:s24], [sflag:$0x2] =	stream.indirect.gather [hbm4b:s4+s23], $0x80, s11, s23, $0xb8;
	[tilespmem:$0x1D800] =	vst v63  }
0x85: {  	p2 =	sne.s32 s10, $0x2580;
	s11 =	smov.u32 s10;
	s10 =	sadd.s32 $0xA0, s10;
	v2 =	vld [tilespmem:s0+$0xFFFFFFB0]  }
0x86: {  	_ =	sdelay $0x3  }
0x87: {  	[tilespmem:$0x18780] =	vst v2  }
0x88: {  	v2 =	vld [tilespmem:s0+$0xFFFFFFC0];
	_ =	sdelay $0x4  }
0x89: {  	[tilespmem:$0x18790] =	vst v2  }
0x8a: {  	v2 =	vld [tilespmem:s0+$0xFFFFFFD0];
	_ =	sdelay $0x4  }
0x8b: {  	[tilespmem:$0x187A0] =	vst v2  }
0x8c: {  	v2 =	vld [tilespmem:s0+$0xFFFFFFE0];
	_ =	sdelay $0x4  }
0x8d: {  	[tilespmem:$0x187B0] =	vst v2  }
0x8e: {  	v2 =	vld [tilespmem:s0+$0xFFFFFFF0];
	_ =	sdelay $0x4  }
0x8f: {  	[tilespmem:$0x187C0] =	vst v2  }
0x90: {  	_ =	swait.ge [sflag:s25], $0x2800  }
0x91: {  	[sflag:s25] =	ssyncset.done $0x0  }
0x92: {  	[sflag:s25] =	ssyncadd.s32 $0xFFFFD800  }
0x93: {  	[spmem:s1] =	stream.indirect.scatter.add.f32 [tilespmem:s19], [sflag:$0x3], $0x80, s26, s23, $0xb8;
	[tilespmem:$0x1D800] =	vst v63  }
0x94: {  	_ =	swait.ge [sflag:s20], $0x2800  }
0x95: {  	[sflag:s20] =	ssyncset.done $0x0  }
0x96: {  	[sflag:s20] =	ssyncadd.s32 $0xFFFFD800  }
0x97: {  	[tilespmem:s19], [sflag:$0x1] =	stream.indirect.gather [hbm4b:s4+s23], $0x80, s8, s23, $0xb8;
	[tilespmem:$0x1D800] =	vst v63  }
0x98: {  	v2 =	vld [tilespmem:s0+$0x0];
	_ =	sdelay $0x4  }
0x99: {  	[tilespmem:$0x18780] =	vst v2  }
0x9a: {  	v2 =	vld [tilespmem:s0+$0x10];
	_ =	sdelay $0x4  }
0x9b: {  	[tilespmem:$0x18790] =	vst v2  }
0x9c: {  	v2 =	vld [tilespmem:s0+$0x20];
	_ =	sdelay $0x4  }
0x9d: {  	s12 =	sand.u32 $0x3FE0, s3;
	s3 =	smov.u32 s11;
	[tilespmem:$0x187A0] =	vst v2  }
0x9e: {  	v2 =	vld [tilespmem:s12+$0x13900];
	_ =	sdelay $0x4  }
0x9f: {  	[tilespmem:$0x187B0] =	vst v2  }
0xa0: {  	v2 =	vld [tilespmem:s0+$0x40];
	_ =	sdelay $0x4  }
0xa1: {  	[tilespmem:$0x187C0] =	vst v2  }
0xa2: {  	_ =	swait.ge [sflag:s28], $0x2800  }
.Ltmp2:
0xa3: {  	[sflag:s28] =	ssyncset.done $0x0;
	(pc) =	sbr.rel @p2 .LBB2_7-.Ltmp2, $4  }
0xa4: {  	[sflag:s28] =	ssyncadd.s32 $0xFFFFD800  }
0xa5: {  	[spmem:s1] =	stream.indirect.scatter.add.f32 [tilespmem:s24], [sflag:$0x3], $0x80, s26, s23, $0xb8;
	[tilespmem:$0x1D800] =	vst v63  }
0xa6: {  	_ =	swait.ge [sflag:s20], $0x2800  }
0xa7: {  	s8 =	sadd.s32 $0xA0, s8;
	[sflag:s20] =	ssyncset.done $0x0  }
0xa8: {  	s10 =	sadd.s32 $0xFFFFFFB0, s8;
	[sflag:s20] =	ssyncadd.s32 $0xFFFFD800;
	s0 =	sadd.s32 $0xA0, s0  }
0xa9: {  	[tilespmem:s24], [sflag:$0x2] =	stream.indirect.gather [hbm4b:s4+s23], $0x80, s10, s23, $0xb8;
	[tilespmem:$0x1D800] =	vst v63  }
0xaa: {  	v2 =	vld [tilespmem:s0+$0xFFFFFFB0];
	_ =	sdelay $0x4  }
0xab: {  	[tilespmem:$0x18780] =	vst v2  }
0xac: {  	v2 =	vld [tilespmem:s0+$0xFFFFFFC0];
	_ =	sdelay $0x4  }
0xad: {  	[tilespmem:$0x18790] =	vst v2  }
0xae: {  	v2 =	vld [tilespmem:s0+$0xFFFFFFD0];
	_ =	sdelay $0x4  }
0xaf: {  	[tilespmem:$0x187A0] =	vst v2  }
0xb0: {  	v2 =	vld [tilespmem:s0+$0xFFFFFFE0];
	_ =	sdelay $0x4  }
0xb1: {  	[tilespmem:$0x187B0] =	vst v2  }
0xb2: {  	v2 =	vld [tilespmem:s0+$0xFFFFFFF0];
	_ =	sdelay $0x4  }
0xb3: {  	[tilespmem:$0x187C0] =	vst v2  }
0xb4: {  	_ =	swait.ge [sflag:s25], $0x2800  }
0xb5: {  	[sflag:s25] =	ssyncset.done $0x0  }
0xb6: {  	[sflag:s25] =	ssyncadd.s32 $0xFFFFD800  }
0xb7: {  	[spmem:s1] =	stream.indirect.scatter.add.f32 [tilespmem:s19], [sflag:$0x3], $0x80, s26, s23, $0xb8;
	[tilespmem:$0x1D800] =	vst v63  }
0xb8: {  	_ =	swait.ge [sflag:s20], $0x2800  }
0xb9: {  	[sflag:s20] =	ssyncset.done $0x0  }
0xba: {  	[sflag:s20] =	ssyncadd.s32 $0xFFFFD800  }
0xbb: {  	[tilespmem:s19], [sflag:$0x1] =	stream.indirect.gather [hbm4b:s4+s23], $0x80, s8, s23, $0xb8;
	[tilespmem:$0x1D800] =	vst v63  }
0xbc: {  	v2 =	vld [tilespmem:s0+$0x0];
	_ =	sdelay $0x4  }
0xbd: {  	[tilespmem:$0x18780] =	vst v2  }
0xbe: {  	v2 =	vld [tilespmem:s0+$0x10];
	_ =	sdelay $0x4  }
0xbf: {  	[tilespmem:$0x18790] =	vst v2  }
0xc0: {  	v2 =	vld [tilespmem:s0+$0x20];
	_ =	sdelay $0x4  }
0xc1: {  	s3 =	sand.u32 $0x3FE0, s3;
	[tilespmem:$0x187A0] =	vst v2  }
0xc2: {  	v2 =	vld [tilespmem:s3+$0x13900];
	_ =	sdelay $0x4  }
0xc3: {  	[tilespmem:$0x187B0] =	vst v2  }
0xc4: {  	v2 =	vld [tilespmem:s0+$0x40];
	_ =	sdelay $0x4  }
0xc5: {  	[tilespmem:$0x187C0] =	vst v2  }
0xc6: {  	_ =	swait.ge [sflag:s28], $0x2800  }
0xc7: {  	[sflag:s28] =	ssyncset.done $0x0  }
0xc8: {  	[sflag:s28] =	ssyncadd.s32 $0xFFFFD800  }
0xc9: {  	[spmem:s1] =	stream.indirect.scatter.add.f32 [tilespmem:s24], [sflag:$0x3], $0x80, s26, s23, $0xb8;
	[tilespmem:$0x1D800] =	vst v63  }
0xca: {  	_ =	swait.ge [sflag:s20], $0x2800  }
0xcb: {  	[sflag:s20] =	ssyncset.done $0x0  }
0xcc: {  	[sflag:s20] =	ssyncadd.s32 $0xFFFFD800  }
0xcd: {  	[tilespmem:s24], [sflag:$0x2] =	stream.indirect.gather [hbm4b:s4+s23], $0x80, s29, s23, $0xb8;
	[tilespmem:$0x1D800] =	vst v63  }
0xce: {  	v2 =	vld [tilespmem:$0x15EA0]  }
0xcf: {  	v3 =	vld [tilespmem:$0x15EB0]  }
0xd0: {  	v4 =	vld [tilespmem:$0x15EC0]  }
0xd1: {  	v5 =	vld [tilespmem:$0x15ED0]  }
0xd2: {  	v6 =	vld [tilespmem:$0x15EE0]  }
0xd3: {  	[tilespmem:$0x18780] =	vst v2  }
0xd4: {  	[tilespmem:$0x18790] =	vst v3  }
0xd5: {  	[tilespmem:$0x187A0] =	vst v4  }
0xd6: {  	[tilespmem:$0x187B0] =	vst v5  }
0xd7: {  	[tilespmem:$0x187C0] =	vst v6  }
0xd8: {  	_ =	swait.ge [sflag:s25], $0x2800  }
0xd9: {  	[sflag:s25] =	ssyncset.done $0x0  }
0xda: {  	[sflag:s25] =	ssyncadd.s32 $0xFFFFD800  }
0xdb: {  	[spmem:s1] =	stream.indirect.scatter.add.f32 [tilespmem:s19], [sflag:$0x3], $0x80, s26, s23, $0xb8;
	[tilespmem:$0x1D800] =	vst v63  }
0xdc: {  	_ =	swait.ge [sflag:s20], $0x2800  }
0xdd: {  	[sflag:s20] =	ssyncset.done $0x0  }
0xde: {  	[sflag:s20] =	ssyncadd.s32 $0xFFFFD800  }
0xdf: {  	v2 =	vld [tilespmem:$0x15EF0]  }
0xe0: {  	v3 =	vld [tilespmem:$0x15F00]  }
0xe1: {  	v58 =	vld [tilespmem:$0x15F10]  }
0xe2: {  	v59 =	vld [tilespmem:$0x15F20]  }
0xe3: {  	v60 =	vld [tilespmem:$0x15F30]  }
0xe4: {  	[tilespmem:$0x18780] =	vst v2  }
0xe5: {  	[tilespmem:$0x18790] =	vst v3  }
0xe6: {  	[tilespmem:$0x187A0] =	vst v58  }
0xe7: {  	[tilespmem:$0x187B0] =	vst v59  }
0xe8: {  	[tilespmem:$0x187C0] =	vst v60  }
0xe9: {  	_ =	swait.ge [sflag:s28], $0x2800  }
0xea: {  	[sflag:s28] =	ssyncset.done $0x0  }
0xeb: {  	[sflag:s28] =	ssyncadd.s32 $0xFFFFD800  }
0xec: {  	[spmem:s1] =	stream.indirect.scatter.add.f32 [tilespmem:s24], [sflag:$0x3], $0x80, s26, s23, $0xb8;
	[tilespmem:$0x1D800] =	vst v63  }
0xed: {  	_ =	swait.ge [sflag:s20], $0x2800  }
0xee: {  	[sflag:s20] =	ssyncset.done $0x0  }
0xef: {  	[sflag:s20] =	ssyncadd.s32 $0xFFFFD800  }
0xf0: {  	[tilespmem:s19], [sflag:$0x1] =	stream.indirect.gather [hbm4b:s4+s23], $0x80, s30, s23, $0xb8;
	[tilespmem:$0x1D800] =	vst v63  }
0xf1: {  	v2 =	vld [tilespmem:$0x15F40]  }
0xf2: {  	v3 =	vld [tilespmem:$0x15F50]  }
0xf3: {  	v61 =	vld [tilespmem:$0x15F60]  }
0xf4: {  	v62 =	vld [tilespmem:$0x15F70]  }
0xf5: {  	v63 =	vld [tilespmem:$0x15F80]  }
0xf6: {  	[tilespmem:$0x18780] =	vst v2  }
0xf7: {  	[tilespmem:$0x18790] =	vst v3  }
0xf8: {  	[tilespmem:$0x187A0] =	vst v61  }
0xf9: {  	[tilespmem:$0x187B0] =	vst v62  }
0xfa: {  	[tilespmem:$0x187C0] =	vst v63  }
0xfb: {  	_ =	swait.ge [sflag:s25], $0x2800  }
0xfc: {  	[sflag:s25] =	ssyncset.done $0x0  }
.Ltmp3:
0xfd: {  	[sflag:s25] =	ssyncadd.s32 $0xFFFFD800;
	(pc) =	sbr.rel @p1 .LBB2_4-.Ltmp3, $4  }
0xfe: {  	[spmem:s1] =	stream.indirect.scatter.add.f32 [tilespmem:s19], [sflag:$0x3], $0x80, s26, s23, $0xb8;
	[tilespmem:$0x1D800] =	vst v63  }
0xff: {  	_ =	swait.ge [sflag:s20], $0x2800  }
0x100: {  	[sflag:s20] =	ssyncset.done $0x0  }
0x101: {  	p2 =	por $0x0, $0x0;
	s0 =	simm.s32 $0x2710;
	[sflag:s20] =	ssyncadd.s32 $0xFFFFD800  }
0x102: {  	[bflag:$0x0] =	sbarrier.arrive $0xFFFF  }
0x103: {  	s0 =	sshrl.u32 @p0 s9, $0x3;
	s3 =	simm.s32 @p0 $0x1FC3;
	s8 =	rddreg [dreg:$0x4]  }
0x104: {  	[hbm:s8], [sflag:s3] =	dma.local @p0 [spmem:s0], $0x1900  }
0x105: {  	s0 =	simm.s32 @p0 $0x3  }
0x106: {  	s3 =	stileid.u32;
	_ =	swait.ge @p0 [sflag:s0], $0x1900  }
0x107: {  	s3 =	sshll.u32 @!p0 s3, $0x6;
	[sflag:s0] =	ssyncset.done @p0 $0x0;
	s8 =	rddreg [dreg:$0x3]  }
0x108: {  	[sflag:s0] =	ssyncadd.s32 @p0 $0xFFFFE700;
	s0 =	sor.u32 @!p0 $0x1C03, s3;
	s3 =	sshrl.u32 @!p0 s7, $0x3  }
0x109: {  	[hbm:s8], [sflag:s0] =	dma.local @!p0 [spmem:s3], $0x2800  }
0x10a: {  	s0 =	simm.s32 @!p0 $0x3  }
0x10b: {  	_ =	swait.ge @!p0 [sflag:s0], $0x2800  }
0x10c: {  	s2 =	sadd.s32 $0x1, s2;
	s12 =	rddreg [dreg:$0x5]  }
0x10d: {  	p1 =	sne.s32 s2, s12  }
.Ltmp4:
0x10e: {  	_ = 	snop;
	(pc) =	sbr.rel @p1 .LBB2_1-.Ltmp4, $3  }
0x10f: {  	_ =	sdelay $0x1  }
0x110: {  	[sflag:s0] =	ssyncset.done @!p0 $0x0  }
0x111: {  	[sflag:s0] =	ssyncadd.s32 @!p0 $0xFFFFD800  }
0x112: {  	_ =	sfence.sel $0x180000  }
0x113: {  	[bflag:$0x0] =	sbarrier.arrive $0xFFFF  }
0x114: {  	_ =	strace $0x9000004A  }
0x115: {  	s0 =	stileid.u32;
	[bflag:$0x2] =	sbarrier.arrive $0xFFFF  }
0x116: {  	p0 =	sne.s32 s0, $0x0;
	s0 =	rddreg [dreg:$0x2]  }
0x117: {  	s0 =	sadd.s32 @!p0 $0x100000, s0  }
0x118: {  	[sflag:s0] =	ssyncadd.tile.s32 @!p0 $0x1;
	_ =	shalt  }
.Lfunc_end2:
_tile_overlayer_lowered:
.L_overlay_start_2:
0x119: {  	(tag) =	ssettag $0x2  }
0x11a: {  	s0 =	rddreg [dreg:$0x0];
	s2 =	stileid.u32  }
0x11b: {  	s1 =	rddreg [dreg:$0x1];
	p0 =	sne.s32 s2, $0x0  }
0x11c: {  	s3 =	rddreg [dreg:$0x2];
	[bflag:$0x3] =	sbarrier.arrive $0xFFFF;
	s2 =	simm.s32 @!p0 $0x1C03  }
0x11d: {  	[timem:s3], [sflag:s2] =	dma.local @!p0 [hbm:s0], s1  }
0x11e: {  	s0 =	simm.s32 @!p0 $0x3  }
0x11f: {  	_ =	swait.ge @!p0 [sflag:s0], s1  }
0x120: {  	s1 =	ssub.s32 @!p0 $0x0, s1;
	[sflag:s0] =	ssyncset.done @!p0 $0x0  }
0x121: {  	[sflag:s0] =	ssyncadd.s32 @!p0 s1  }
0x122: {  	[bflag:$0x3] =	sbarrier.arrive $0xFFFF  }
0x123: {  	_ =	shalt  }

// kernel: kernel.7.cloned.1.call-start
scs
__scs_entry_jumppad:
0x0: {  	(pc) =	sbr.rel $0x88, $3  }
0x1: {  	(tag) =	ssettag $0x0;
	lr =	simm.s32 $0x1  }
0x2: {  	[smem:$0x3F92] =	sst lr;
	_ =	strace $0xD0000000  }
0x3: {  	_ = 	snop  }
0x4: {  	_ = 	snop  }
0x5: {  	_ = 	snop  }
0x6: {  	_ = 	snop  }
0x7: {  	_ = 	snop  }
__scs_overlays_trampoline_lowered:
0x8: {  	[smem:$0x3FA1] =	sst s0  }
0x9: {  	[smem:$0x3FA2] =	sst s1  }
0xa: {  	[smem:$0x3FA3] =	sst s2  }
0xb: {  	[smem:$0x3FA4] =	sst s3  }
0xc: {  	[smem:$0x3FA5] =	sst s4  }
0xd: {  	[smem:$0x3FA6] =	sst s5  }
0xe: {  	[smem:$0x3FA7] =	sst s6  }
0xf: {  	[smem:$0x3FA8] =	sst s7  }
0x10: {  	[smem:$0x3FA9] =	sst s8  }
0x11: {  	[smem:$0x3FAA] =	sst s9;
	s0 =	simm.s32 @!p0 $0x0  }
0x12: {  	s1 =	sld [smem:$0x3F90];
	s0 =	simm.s32 @p0 $0x1  }
0x13: {  	[smem:$0x3FAB] =	sst s0;
	s0 =	simm.s32 @!p1 $0x0  }
0x14: {  	s2 =	sld [smem:$0x3F8F];
	s0 =	simm.s32 @p1 $0x1  }
0x15: {  	[smem:$0x3FAC] =	sst s0;
	s0 =	simm.s32 @!p2 $0x0  }
0x16: {  	s3 =	sld [smem:$0x3FDB];
	s0 =	simm.s32 @p2 $0x1  }
0x17: {  	s4 =	simm.s32 $0x1BF5;
	[smem:$0x3FAE] =	sst s0  }
0x18: {  	s0 =	sld [smem:$0x3F91];
	_ =	swait.ge [sflag:s4], $0x0  }
0x19: {  	s7 =	sld [smem:$0x3F92]  }
0x1a: {  	s8 =	sadd.s32 $0xFFFFE003, lr  }
0x1b: {  	s9 =	sadd.s32 $0xFFFFFEF7, lr;
	s5 =	simm.s32 $0xFFFFFFFF;
	p2 =	slt.u32 s8, $0xFFFFF086  }
0x1c: {  	p1 =	slt.u32 s9, $0xF7A;
	s5 =	simm.s32 @!p2 $0x0  }
0x1d: {  	s5 =	simm.s32 @p1 $0x1;
	p0 =	seq.s32 s7, s2  }
0x1e: {  	s7 =	smul.u32 @!p0 $0xF7A, s2;
	p2 =	seq.s32 @!p0 s5, $0x0  }
0x1f: {  	s9 =	smul.u32 $0xF7A, s1;
	s8 =	simm.s32 @!p0 $0x1BF5;
	p2 =	por !p2, p0  }
0x20: {  	[sflag:s8] =	ssyncset.s32 @!p0 $0xFFFFF086;
	s6 =	sadd.s32 @!p0 s3, s7;
	s7 =	simm.s32 @!p0 $0x108  }
0x21: {  	s3 =	sadd.s32 s3, s9;
	s6 =	sadd.s32 @!p0 $0x88, s6;
	s7 =	simm.s32 @p2 $0x1082  }
0x22: {  	[simem:s7], [sflag:s8] =	dma.local @!p0 [hbm:s6], $0xF7A  }
0x23: {  	s9 =	sor.u32 $0xD0000000, s2;
	s6 =	simm.s32 $0x108;
	_ =	swait.ge @!p0 [sflag:s8], $0x0  }
0x24: {  	s3 =	sadd.s32 $0x88, s3;
	s6 =	simm.s32 @!p1 $0x1082;
	[sflag:s4] =	ssyncset.s32 $0xFFFFF086  }
0x25: {  	[simem:s6], [sflag:s4] =	dma.local [hbm:s3], $0xF7A  }
0x26: {  	[smem:$0x3F92] =	sst s1;
	(tag) =	ssettag s2;
	_ =	strace s9  }
0x27: {  	s1 =	sld [smem:$0x3FA2]  }
0x28: {  	s2 =	sld [smem:$0x3FA3]  }
0x29: {  	s4 =	sld [smem:$0x3FA5]  }
0x2a: {  	p0 =	seq.s32 s5, $0x0;
	s5 =	sld [smem:$0x3FA6]  }
0x2b: {  	s6 =	sld [smem:$0x3FA7]  }
0x2c: {  	s7 =	sld [smem:$0x3FA8]  }
0x2d: {  	s3 =	simm.s32 $0x108;
	s8 =	sld [smem:$0x3FA9]  }
0x2e: {  	s3 =	simm.s32 @!p0 $0x1082;
	s9 =	sld [smem:$0x3FAA]  }
0x2f: {  	lr =	sadd.s32 s0, s3;
	s0 =	sld [smem:$0x3FA1]  }
0x30: {  	s3 =	sld [smem:$0x3FA4]  }
0x31: {  	[smem:$0x3FAD] =	sst s10  }
0x32: {  	s10 =	sld [smem:$0x3FAB];
	_ =	sdelay $0x3  }
0x33: {  	p0 =	seq.s32 s10, $0x1;
	s10 =	sld [smem:$0x3FAD];
	_ =	sdelay $0x3  }
0x34: {  	[smem:$0x3FAD] =	sst s10  }
0x35: {  	s10 =	sld [smem:$0x3FAC];
	_ =	sdelay $0x3  }
0x36: {  	p1 =	seq.s32 s10, $0x1;
	s10 =	sld [smem:$0x3FAD];
	_ =	sdelay $0x3  }
0x37: {  	[smem:$0x3FAD] =	sst s10  }
0x38: {  	s10 =	sld [smem:$0x3FAE]  }
0x39: {  	_ = 	snop;
	(pc) =	sbr.ind lr, $3  }
0x3a: {  	_ = 	snop  }
0x3b: {  	_ = 	snop  }
0x3c: {  	p2 =	seq.s32 s10, $0x1;
	s10 =	sld [smem:$0x3FAD]  }
0x3d: {  	_ =	shalt  }
0x3e: {  	_ =	shalt  }
0x3f: {  	_ =	shalt  }
0x40: {  	_ =	shalt  }
0x41: {  	_ =	shalt  }
0x42: {  	_ =	shalt  }
0x43: {  	_ =	shalt  }
0x44: {  	_ =	shalt  }
0x45: {  	_ =	shalt  }
0x46: {  	_ =	shalt  }
0x47: {  	_ =	shalt  }
0x48: {  	_ =	shalt  }
0x49: {  	_ =	shalt  }
0x4a: {  	_ =	shalt  }
0x4b: {  	_ =	shalt  }
0x4c: {  	_ =	shalt  }
0x4d: {  	_ =	shalt  }
0x4e: {  	_ =	shalt  }
0x4f: {  	_ =	shalt  }
0x50: {  	_ =	shalt  }
0x51: {  	_ =	shalt  }
0x52: {  	_ =	shalt  }
0x53: {  	_ =	shalt  }
0x54: {  	_ =	shalt  }
0x55: {  	_ =	shalt  }
0x56: {  	_ =	shalt  }
0x57: {  	_ =	shalt  }
0x58: {  	_ =	shalt  }
0x59: {  	_ =	shalt  }
0x5a: {  	_ =	shalt  }
0x5b: {  	_ =	shalt  }
0x5c: {  	_ =	shalt  }
0x5d: {  	_ =	shalt  }
0x5e: {  	_ =	shalt  }
0x5f: {  	_ =	shalt  }
0x60: {  	_ =	shalt  }
0x61: {  	_ =	shalt  }
0x62: {  	_ =	shalt  }
0x63: {  	_ =	shalt  }
0x64: {  	_ =	shalt  }
0x65: {  	_ =	shalt  }
0x66: {  	_ =	shalt  }
0x67: {  	_ =	shalt  }
0x68: {  	_ =	shalt  }
0x69: {  	_ =	shalt  }
0x6a: {  	_ =	shalt  }
0x6b: {  	_ =	shalt  }
0x6c: {  	_ =	shalt  }
0x6d: {  	_ =	shalt  }
0x6e: {  	_ =	shalt  }
0x6f: {  	_ =	shalt  }
0x70: {  	_ =	shalt  }
0x71: {  	_ =	shalt  }
0x72: {  	_ =	shalt  }
0x73: {  	_ =	shalt  }
0x74: {  	_ =	shalt  }
0x75: {  	_ =	shalt  }
0x76: {  	_ =	shalt  }
0x77: {  	_ =	shalt  }
0x78: {  	_ =	shalt  }
0x79: {  	_ =	shalt  }
0x7a: {  	_ =	shalt  }
0x7b: {  	_ =	shalt  }
0x7c: {  	_ =	shalt  }
0x7d: {  	_ =	shalt  }
0x7e: {  	_ =	shalt  }
0x7f: {  	_ =	shalt  }
0x80: {  	_ =	shalt  }
0x81: {  	_ =	shalt  }
0x82: {  	_ =	shalt  }
0x83: {  	_ =	shalt  }
0x84: {  	_ =	shalt  }
0x85: {  	_ =	shalt  }
0x86: {  	_ =	shalt  }
0x87: {  	_ =	shalt  }
.Lfunc_end0:
.L_simem_size_0:
called_computation_lowered:
.L_overlay_start_0:
0x88: {  	s2 =	sld [smem:$0x3FD9]  }
0x89: {  	s3 =	sld [smem:$0x3FFE];
	_ =	sdelay $0x1  }
0x8a: {  	s1 =	srdreg.scid  }
0x8b: {  	s0 =	sand.u32 $0x1, s1  }
0x8c: {  	s16 =	sshll.u32 s0, $0xA;
	s2 =	sadd.s32 s3, s2  }
0x8d: {  	s2 =	sadd.s32 s2, s16  }
0x8e: {  	[smem:$0x3FB9] =	sst s2  }
0x8f: {  	_ = 	snop  }
0x90: {  	(tm) =	ssettm $0x1  }
0x91: {  	s17 =	sld [smem:$0x3FFB];
	_ =	sdelay $0x3  }
0x92: {  	_ =	strace s17  }
0x93: {  	s2 =	sld [smem:$0x3FFC];
	_ =	sdelay $0x3  }
0x94: {  	_ =	strace s2  }
0x95: {  	s2 =	sld [smem:$0x3FFD];
	_ =	sdelay $0x3  }
0x96: {  	_ =	strace s2  }
0x97: {  	_ =	strace $0x8FFFFFFF  }
0x98: {  	s18 =	sld [smem:$0x3FDB];
	_ =	sdelay $0x1  }
0x99: {  	s19 =	simm.s32 $_scs_section_size  }
0x9a: {  	s4 =	simm.s32 $_size__tile_overlayer_lowered;
	s5 =	simm.s32 $_tile_overlayer_lowered  }
0x9b: {  	s22 =	simm.s32 $0x1BFF;
	s21 =	sshll.u32 s5, $0x1;
	s2 =	sadd.s32 s19, s18  }
0x9c: {  	s6 =	simm.s32 $0x0;
	s20 =	sshll.u32 s4, $0x1;
	s4 =	sadd.s32 s21, s2  }
0x9d: {  	[timem:s6], [sflag:s22] =	dma.local [hbm:s4], s20  }
0x9e: {  	_ =	swait.ge [sflag:s22], s20  }
0x9f: {  	s3 =	ssub.s32 $0x0, s20;
	[sflag:s22] =	ssyncset.done $0x0  }
0xa0: {  	[sflag:s22] =	ssyncadd.s32 s3;
	_ =	sdelay $0x1  }
0xa1: {  	s23 =	simm.s32 $0x1B8B  }
0xa2: {  	_ =	swait.ge [sflag:s23], $0x1  }
0xa3: {  	[sflag:s23] =	ssyncset.done $0x0  }
0xa4: {  	s25 =	simm.s32 $0x1B8E;
	s24 =	sld [smem:$0x3FFE];
	[sflag:s23] =	ssyncadd.s32 $0xFFFFFFFF  }
0xa5: {  	s26 =	simm.s32 $execute0_lowered;
	[smem:$0x3FD2] =	sst s25  }
0xa6: {  	s4 =	sshll.u32 s26, $0x1;
	_ =	strace $0x80000046;
	[dreg:$0x1] =	wrdreg $0xFFFFFFFF  }
0xa7: {  	s28 =	simm.s32 $_size_execute0_lowered;
	s2 =	sadd.s32 s2, s4;
	[dreg:$0x0] =	wrdreg $0x0  }
0xa8: {  	s4 =	sshll.u32 s28, $0x1;
	[dreg:$0x2] =	wrdreg s2  }
0xa9: {  	[dreg:$0x3] =	wrdreg s4  }
0xaa: {  	[dreg:$0x4] =	wrdreg $0xC0  }
0xab: {  	_ =	task [dreg:s6], $0x5FFFF  }
0xac: {  	[dreg:$0x1] =	wrdreg $0xFFFFFFFF  }
0xad: {  	[dreg:$0x0] =	wrdreg $0x60  }
0xae: {  	[dreg:$0x2] =	wrdreg s24  }
0xaf: {  	[dreg:$0x3] =	wrdreg $0x0  }
0xb0: {  	[dreg:$0x4] =	wrdreg $0x9  }
0xb1: {  	_ =	task.clear_ibuf [dreg:s6], $0x5FFFF;
	_ =	strace $0x90000046  }
0xb2: {  	s29 =	simm.s32 $0x9;
	_ =	strace $0x80000048  }
0xb3: {  	_ =	swait.ge [sflag:s29], $0x1  }
0xb4: {  	[sflag:s29] =	ssyncadd.s32 $0xFFFFFFFF  }
0xb5: {  	_ =	strace $0x90000048  }
0xb6: {  	_ =	sfence  }
0xb7: {  	s30 =	sld [smem:$0x0];
	_ =	sdelay $0x2  }
0xb8: {  	s31 =	sshll.u32 s1, $0xD;
	s1 =	sshrl.u32 s1, $0x2  }
0xb9: {  	s3 =	sand.u32 $0x4000, s31;
	s1 =	sadd.s32 s1, s30  }
0xba: {  	s0 =	sor.u32 s3, s0;
	s1 =	sshll.u32 s1, $0x11  }
0xbb: {  	s0 =	sor.u32 s1, s0  }
0xbc: {  	s0 =	sadd.s32 $0x8F2B, s0  }
0xbd: {  	[sflag:s0] =	ssyncadd.remote.s32 $0x1  }
0xbe: {  	_ =	sfence.sel $0xFFFF  }
0xbf: {  	[dreg:$0x0] =	wrdreg $0xFFFFFFFF;
	(pc) =	sbr.abs _section_cstart, $3  }
0xc0: {  	[dreg:$0x1] =	wrdreg $0xFFFFFFFF  }
0xc1: {  	_ =	task.clear_ibuf [dreg:s6], $0x2FFFF;
	_ =	strace $0x9FFFFFFF  }
0xc2: {  	(tm) =	ssettm $0x7FFFFFFF  }
0xc3: {  	_ =	shalt  }
tec
execute0_lowered:
.L_overlay_start_1:
0x0: {  	(tag) =	ssettag $0x1  }
0x1: {  	s0 =	rddreg [dreg:$0x0]  }
0x2: {  	s1 =	rddreg [dreg:$0x1]  }
0x3: {  	s2 =	simm.s32 $0x0;
	s3 =	srdreg.scid;
	s12 =	stileid.u32  }
0x4: {  	s19 =	simm.s32 $0x18800;
	s20 =	simm.s32 $0x3;
	s21 =	simm.s32 $0x13880  }
0x5: {  	s28 =	simm.s32 $0x2;
	s29 =	simm.s32 $0x18670;
	s30 =	simm.s32 $0x186C0  }
0x6: {  	s31 =	simm.s32 $0x0;
	[smem:$0x7FF] =	sst s2;
	s3 =	sand.u32 $0x1, s3  }
0x7: {  	s4 =	sadd.s32 $0x3FA00, s0;
	s7 =	smul.u32 $0x280, s12;
	s5 =	sadd.s32 $0x2A000, s0  }
0x8: {  	s10 =	smul.u32 $0x50000, s12;
	s0 =	sadd.s32 $0xDBE00, s0;
	p0 =	seq.s32 s12, $0xF  }
0x9: {  	_ =	strace $0x80000047;
	s8 =	smul.u32 $0x2710, s3;
	s6 =	ssub.s32 $0x2, s3  }
0xa: {  	s3 =	smul.u32 $0x138800, s3;
	s9 =	sshrl.u32 s6, $0x1;
	s22 =	sshrl.u32 s10, $0x2  }
0xb: {  	s10 =	sadd.s32 $0x133800, s1;
	s11 =	ssub.s32 s6, s9;
	s6 =	smul.u32 $0x4E20, s12  }
0xc: {  	s23 =	sadd.s32 s7, s8;
	s7 =	sadd.s32 s22, s1;
	s3 =	sshrl.u32 s3, $0x3  }
0xd: {  	s22 =	simm.s32 $0x16000;
	s24 =	sshll.u32 s23, $0x4;
	s25 =	smax.u32 s11, $0x1  }
0xe: {  	s26 =	sadd.s32 $0x2800, s7;
	s13 =	sadd.s32 $0x5000, s7;
	s14 =	sadd.s32 $0x7800, s7  }
0xf: {  	s15 =	sadd.s32 $0xA000, s7;
	s16 =	sadd.s32 $0xC800, s7;
	s17 =	sadd.s32 $0xF000, s7  }
0x10: {  	s18 =	sadd.s32 $0x11800, s7;
	s23 =	simm.s32 $0x50;
	[dreg:$0x5] =	wrdreg s25  }
0x11: {  	s9 =	sadd.s32 s0, s24;
	s0 =	sadd.s32 s0, s3;
	[dreg:$0x6] =	wrdreg s26  }
0x12: {  	s3 =	sadd.s32 $0x131000, s1;
	s17 =	smov.u32 @p0 s10;
	s24 =	simm.s32 $0x1B000  }
0x13: {  	s25 =	simm.s32 $0x1;
	[dreg:$0x3] =	wrdreg s9;
	s0 =	sadd.s32 $0x25800, s0  }
0x14: {  	s26 =	simm.s32 $0x18780;
	[dreg:$0x4] =	wrdreg s0;
	s0 =	sadd.s32 $0x12E800, s1  }
0x15: {  	s9 =	sadd.s32 $0x12C000, s1;
	s15 =	smov.u32 @p0 s0;
	s0 =	sadd.s32 $0x136000, s1  }
0x16: {  	v1 =	vimm.f32 $0.0e+00;
	v0 =	vmov s8;
	s16 =	smov.u32 @p0 s3;
	s14 =	smov.u32 @p0 s9;
	s18 =	smov.u32 @p0 s0  }
.LBB2_1:
0x17: {  	s0 =	simm.s32 $0x0;
	s3 =	simm.s32 $0x200  }
.LBB2_2:
0x18: {  	p1 =	sne.s32 s3, $0x9E00;
	[tilespmem:s0+$0x18870] =	vst v1  }
0x19: {  	[tilespmem:s0+$0x18800] =	vst v1  }
0x1a: {  	[tilespmem:s0+$0x18810] =	vst v1  }
.Ltmp0:
0x1b: {  	[tilespmem:s0+$0x18820] =	vst v1;
	(pc) =	sbr.rel @p1 .LBB2_2-.Ltmp0, $4  }
0x1c: {  	[tilespmem:s0+$0x18830] =	vst v1  }
0x1d: {  	[tilespmem:s0+$0x18840] =	vst v1  }
0x1e: {  	[tilespmem:s0+$0x18850] =	vst v1  }
0x1f: {  	[tilespmem:s0+$0x18860] =	vst v1;
	s0 =	sshra.s32 s3, $0x2;
	s3 =	sadd.s32 $0x200, s3  }
0x20: {  	[tilespmem:s0+$0x18870] =	vst v1  }
0x21: {  	[tilespmem:s0+$0x18800] =	vst v1  }
0x22: {  	[tilespmem:s0+$0x18810] =	vst v1  }
0x23: {  	[tilespmem:s0+$0x18820] =	vst v1  }
0x24: {  	[tilespmem:s0+$0x18830] =	vst v1  }
0x25: {  	[tilespmem:s0+$0x18840] =	vst v1  }
0x26: {  	[tilespmem:s0+$0x18850] =	vst v1  }
0x27: {  	[tilespmem:s0+$0x18860] =	vst v1;
	s0 =	simm.s32 @!p0 $0x18800;
	s3 =	simm.s32 @!p0 $0x3  }
0x28: {  	[spmem:s7] =	stream.linear.scatter @!p0 [tilespmem:s0], [sflag:$0x3], $0x2800, $0x38;
	[tilespmem:$0x1D800] =	vst v63  }
0x29: {  	_ =	swait.ge @!p0 [sflag:s3], $0x2800  }
0x2a: {  	[sflag:s3] =	ssyncset.done @!p0 $0x0  }
0x2b: {  	s8 =	rddreg [dreg:$0x6];
	[sflag:s3] =	ssyncadd.s32 @!p0 $0xFFFFD800  }
0x2c: {  	[spmem:s8] =	stream.linear.scatter @!p0 [tilespmem:s0], [sflag:$0x3], $0x2800, $0x38;
	[tilespmem:$0x1D800] =	vst v63  }
0x2d: {  	_ =	swait.ge @!p0 [sflag:s3], $0x2800  }
0x2e: {  	[sflag:s3] =	ssyncset.done @!p0 $0x0  }
0x2f: {  	[sflag:s3] =	ssyncadd.s32 @!p0 $0xFFFFD800  }
0x30: {  	[spmem:s13] =	stream.linear.scatter @!p0 [tilespmem:s0], [sflag:$0x3], $0x2800, $0x38;
	[tilespmem:$0x1D800] =	vst v63  }
0x31: {  	_ =	swait.ge @!p0 [sflag:s3], $0x2800  }
0x32: {  	[sflag:s3] =	ssyncset.done @!p0 $0x0  }
0x33: {  	[sflag:s3] =	ssyncadd.s32 @!p0 $0xFFFFD800  }
0x34: {  	[spmem:s14] =	stream.linear.scatter [tilespmem:s19], [sflag:$0x3], $0x2800, $0x38;
	[tilespmem:$0x1D800] =	vst v63  }
0x35: {  	_ =	swait.ge [sflag:s20], $0x2800  }
0x36: {  	[sflag:s20] =	ssyncset.done $0x0  }
0x37: {  	[sflag:s20] =	ssyncadd.s32 $0xFFFFD800  }
0x38: {  	[spmem:s15] =	stream.linear.scatter [tilespmem:s19], [sflag:$0x3], $0x2800, $0x38;
	[tilespmem:$0x1D800] =	vst v63  }
0x39: {  	_ =	swait.ge [sflag:s20], $0x2800  }
0x3a: {  	[sflag:s20] =	ssyncset.done $0x0  }
0x3b: {  	[sflag:s20] =	ssyncadd.s32 $0xFFFFD800  }
0x3c: {  	[spmem:s16] =	stream.linear.scatter [tilespmem:s19], [sflag:$0x3], $0x2800, $0x38;
	[tilespmem:$0x1D800] =	vst v63  }
0x3d: {  	_ =	swait.ge [sflag:s20], $0x2800  }
0x3e: {  	[sflag:s20] =	ssyncset.done $0x0  }
0x3f: {  	[sflag:s20] =	ssyncadd.s32 $0xFFFFD800  }
0x40: {  	[spmem:s17] =	stream.linear.scatter [tilespmem:s19], [sflag:$0x3], $0x2800, $0x38;
	[tilespmem:$0x1D800] =	vst v63  }
0x41: {  	_ =	swait.ge [sflag:s20], $0x2800  }
0x42: {  	[sflag:s20] =	ssyncset.done $0x0  }
0x43: {  	[sflag:s20] =	ssyncadd.s32 $0xFFFFD800  }
0x44: {  	[spmem:s18] =	stream.linear.scatter [tilespmem:s19], [sflag:$0x3], $0x2800, $0x38;
	[tilespmem:$0x1D800] =	vst v63  }
0x45: {  	_ =	swait.ge [sflag:s20], $0x2800  }
0x46: {  	[sflag:s20] =	ssyncset.done $0x0  }
0x47: {  	[sflag:s20] =	ssyncadd.s32 $0xFFFFD800  }
0x48: {  	p2 =	por $0x1, $0x1;
	s0 =	simm.s32 $0x0;
	[bflag:$0x0] =	sbarrier.arrive $0xFFFF  }
.LBB2_4:
0x49: {  	s0 =	sadd.s32 s6, s0  }
0x4a: {  	s0 =	sshrl.u32 s0, $0x3  }
0x4b: {  	s0 =	sadd.s32 s5, s0  }
0x4c: {  	s3 =	sadd.s32 $0x9C40, s0  }
0x4d: {  	[tilespmem:s21], [sflag:$0x3] =	stream.linear.gather [hbm4b:s3+s31], $0x2710, $0x38;
	[tilespmem:$0x1D800] =	vst v63  }
0x4e: {  	_ =	swait.ge [sflag:s20], $0x2710  }
0x4f: {  	[sflag:s20] =	ssyncset.done $0x0  }
0x50: {  	[sflag:s20] =	ssyncadd.s32 $0xFFFFD8F0  }
0x51: {  	[tilespmem:s22], [sflag:$0x3] =	stream.linear.gather [hbm4b:s0+s31], $0x2710, $0x38;
	[tilespmem:$0x1D800] =	vst v63  }
0x52: {  	_ =	swait.ge [sflag:s20], $0x2710  }
0x53: {  	p1 =	por p2, p2;
	[sflag:s20] =	ssyncset.done $0x0  }
0x54: {  	s3 =	simm.s32 $0x40;
	s0 =	simm.s32 $0x0;
	[sflag:s20] =	ssyncadd.s32 $0xFFFFD8F0  }
.LBB2_5:
0x55: {  	p2 =	sne.s32 s3, $0x9C00;
	v2 =	vld [tilespmem:s0+$0x16000];
	_ =	sdelay $0x1  }
.Ltmp1:
0x56: {  	(pc) =	sbr.rel @p2 .LBB2_5-.Ltmp1, $3  }
0x57: {  	_ =	sdelay $0x1  }
0x58: {  	v2 =	vadd.s32 v0, v2  }
0x59: {  	[tilespmem:s0+$0x16000] =	vst v2;
	s0 =	sshra.s32 s3, $0x2;
	s3 =	sadd.s32 $0x40, s3  }
0x5a: {  	v2 =	vld [tilespmem:s0+$0x16000];
	_ =	sdelay $0x4  }
0x5b: {  	v2 =	vadd.s32 v0, v2  }
0x5c: {  	[tilespmem:s0+$0x16000] =	vst v2  }
0x5d: {  	[tilespmem:s19], [sflag:$0x1] =	stream.indirect.gather [hbm4b:s4+s23], $0x80, s22, s23, $0xb8;
	[tilespmem:$0x1D800] =	vst v63  }
0x5e: {  	s3 =	simm.s32 $0x16050;
	s0 =	simm.s32 $0x138D0  }
0x5f: {  	[tilespmem:s24], [sflag:$0x2] =	stream.indirect.gather [hbm4b:s4+s23], $0x80, s3, s23, $0xb8;
	[tilespmem:$0x1D800] =	vst v63  }
0x60: {  	v2 =	vld [tilespmem:s0+$0xFFFFFFB0];
	_ =	sdelay $0x4  }
0x61: {  	[tilespmem:$0x18780] =	vst v2  }
0x62: {  	v2 =	vld [tilespmem:s0+$0xFFFFFFC0];
	_ =	sdelay $0x4  }
0x63: {  	[tilespmem:$0x18790] =	vst v2  }
0x64: {  	v2 =	vld [tilespmem:s0+$0xFFFFFFD0];
	_ =	sdelay $0x4  }
0x65: {  	[tilespmem:$0x187A0] =	vst v2  }
0x66: {  	v2 =	vld [tilespmem:s0+$0xFFFFFFE0];
	_ =	sdelay $0x4  }
0x67: {  	[tilespmem:$0x187B0] =	vst v2  }
0x68: {  	v2 =	vld [tilespmem:s0+$0xFFFFFFF0];
	_ =	sdelay $0x4  }
0x69: {  	[tilespmem:$0x187C0] =	vst v2  }
0x6a: {  	_ =	swait.ge [sflag:s25], $0x2800  }
0x6b: {  	[sflag:s25] =	ssyncset.done $0x0  }
0x6c: {  	[sflag:s25] =	ssyncadd.s32 $0xFFFFD800  }
0x6d: {  	[spmem:s1] =	stream.indirect.scatter.add.f32 [tilespmem:s19], [sflag:$0x3], $0x80, s26, s23, $0xb8;
	[tilespmem:$0x1D800] =	vst v63  }
0x6e: {  	_ =	swait.ge [sflag:s20], $0x2800  }
0x6f: {  	[sflag:s20] =	ssyncset.done $0x0  }
0x70: {  	s11 =	simm.s32 $0x160A0;
	[sflag:s20] =	ssyncadd.s32 $0xFFFFD800  }
0x71: {  	[tilespmem:s19], [sflag:$0x1] =	stream.indirect.gather [hbm4b:s4+s23], $0x80, s11, s23, $0xb8;
	[tilespmem:$0x1D800] =	vst v63  }
0x72: {  	v2 =	vld [tilespmem:s0+$0x0];
	_ =	sdelay $0x4  }
0x73: {  	[tilespmem:$0x18780] =	vst v2  }
0x74: {  	v2 =	vld [tilespmem:s0+$0x10];
	_ =	sdelay $0x4  }
0x75: {  	[tilespmem:$0x18790] =	vst v2  }
0x76: {  	v2 =	vld [tilespmem:s0+$0x20];
	_ =	sdelay $0x3  }
0x77: {  	s12 =	simm.s32 $0x0  }
0x78: {  	s3 =	sand.u32 $0x3FE0, s12;
	[tilespmem:$0x187A0] =	vst v2  }
0x79: {  	v2 =	vld [tilespmem:s3+$0x13900];
	_ =	sdelay $0x4  }
0x7a: {  	[tilespmem:$0x187B0] =	vst v2  }
0x7b: {  	v2 =	vld [tilespmem:s0+$0x40];
	_ =	sdelay $0x4  }
0x7c: {  	[tilespmem:$0x187C0] =	vst v2  }
0x7d: {  	_ =	swait.ge [sflag:s28], $0x2800  }
0x7e: {  	[sflag:s28] =	ssyncset.done $0x0  }
0x7f: {  	[sflag:s28] =	ssyncadd.s32 $0xFFFFD800  }
0x80: {  	[spmem:s1] =	stream.indirect.scatter.add.f32 [tilespmem:s24], [sflag:$0x3], $0x80, s26, s23, $0xb8;
	[tilespmem:$0x1D800] =	vst v63  }
0x81: {  	s10 =	simm.s32 $0x140;
	_ =	swait.ge [sflag:s20], $0x2800  }
0x82: {  	s8 =	simm.s32 $0x16140;
	s3 =	simm.s32 $0xA0;
	[sflag:s20] =	ssyncset.done $0x0  }
.LBB2_7:
0x83: {  	s11 =	sadd.s32 $0xFFFFFFB0, s8;
	[sflag:s20] =	ssyncadd.s32 $0xFFFFD800;
	s0 =	sadd.s32 $0xA0, s0  }
0x84: {  	[tilespmem:s24], [sflag:$0x2] =	stream.indirect.gather [hbm4b:s4+s23], $0x80, s11, s23, $0xb8;
	[tilespmem:$0x1D800] =	vst v63  }
0x85: {  	p2 =	sne.s32 s10, $0x2580;
	s11 =	smov.u32 s10;
	s10 =	sadd.s32 $0xA0, s10;
	v2 =	vld [tilespmem:s0+$0xFFFFFFB0]  }
0x86: {  	_ =	sdelay $0x3  }
0x87: {  	[tilespmem:$0x18780] =	vst v2  }
0x88: {  	v2 =	vld [tilespmem:s0+$0xFFFFFFC0];
	_ =	sdelay $0x4  }
0x89: {  	[tilespmem:$0x18790] =	vst v2  }
0x8a: {  	v2 =	vld [tilespmem:s0+$0xFFFFFFD0];
	_ =	sdelay $0x4  }
0x8b: {  	[tilespmem:$0x187A0] =	vst v2  }
0x8c: {  	v2 =	vld [tilespmem:s0+$0xFFFFFFE0];
	_ =	sdelay $0x4  }
0x8d: {  	[tilespmem:$0x187B0] =	vst v2  }
0x8e: {  	v2 =	vld [tilespmem:s0+$0xFFFFFFF0];
	_ =	sdelay $0x4  }
0x8f: {  	[tilespmem:$0x187C0] =	vst v2  }
0x90: {  	_ =	swait.ge [sflag:s25], $0x2800  }
0x91: {  	[sflag:s25] =	ssyncset.done $0x0  }
0x92: {  	[sflag:s25] =	ssyncadd.s32 $0xFFFFD800  }
0x93: {  	[spmem:s1] =	stream.indirect.scatter.add.f32 [tilespmem:s19], [sflag:$0x3], $0x80, s26, s23, $0xb8;
	[tilespmem:$0x1D800] =	vst v63  }
0x94: {  	_ =	swait.ge [sflag:s20], $0x2800  }
0x95: {  	[sflag:s20] =	ssyncset.done $0x0  }
0x96: {  	[sflag:s20] =	ssyncadd.s32 $0xFFFFD800  }
0x97: {  	[tilespmem:s19], [sflag:$0x1] =	stream.indirect.gather [hbm4b:s4+s23], $0x80, s8, s23, $0xb8;
	[tilespmem:$0x1D800] =	vst v63  }
0x98: {  	v2 =	vld [tilespmem:s0+$0x0];
	_ =	sdelay $0x4  }
0x99: {  	[tilespmem:$0x18780] =	vst v2  }
0x9a: {  	v2 =	vld [tilespmem:s0+$0x10];
	_ =	sdelay $0x4  }
0x9b: {  	[tilespmem:$0x18790] =	vst v2  }
0x9c: {  	v2 =	vld [tilespmem:s0+$0x20];
	_ =	sdelay $0x4  }
0x9d: {  	s12 =	sand.u32 $0x3FE0, s3;
	s3 =	smov.u32 s11;
	[tilespmem:$0x187A0] =	vst v2  }
0x9e: {  	v2 =	vld [tilespmem:s12+$0x13900];
	_ =	sdelay $0x4  }
0x9f: {  	[tilespmem:$0x187B0] =	vst v2  }
0xa0: {  	v2 =	vld [tilespmem:s0+$0x40];
	_ =	sdelay $0x4  }
0xa1: {  	[tilespmem:$0x187C0] =	vst v2  }
0xa2: {  	_ =	swait.ge [sflag:s28], $0x2800  }
.Ltmp2:
0xa3: {  	[sflag:s28] =	ssyncset.done $0x0;
	(pc) =	sbr.rel @p2 .LBB2_7-.Ltmp2, $4  }
0xa4: {  	[sflag:s28] =	ssyncadd.s32 $0xFFFFD800  }
0xa5: {  	[spmem:s1] =	stream.indirect.scatter.add.f32 [tilespmem:s24], [sflag:$0x3], $0x80, s26, s23, $0xb8;
	[tilespmem:$0x1D800] =	vst v63  }
0xa6: {  	_ =	swait.ge [sflag:s20], $0x2800  }
0xa7: {  	s8 =	sadd.s32 $0xA0, s8;
	[sflag:s20] =	ssyncset.done $0x0  }
0xa8: {  	s10 =	sadd.s32 $0xFFFFFFB0, s8;
	[sflag:s20] =	ssyncadd.s32 $0xFFFFD800;
	s0 =	sadd.s32 $0xA0, s0  }
0xa9: {  	[tilespmem:s24], [sflag:$0x2] =	stream.indirect.gather [hbm4b:s4+s23], $0x80, s10, s23, $0xb8;
	[tilespmem:$0x1D800] =	vst v63  }
0xaa: {  	v2 =	vld [tilespmem:s0+$0xFFFFFFB0];
	_ =	sdelay $0x4  }
0xab: {  	[tilespmem:$0x18780] =	vst v2  }
0xac: {  	v2 =	vld [tilespmem:s0+$0xFFFFFFC0];
	_ =	sdelay $0x4  }
0xad: {  	[tilespmem:$0x18790] =	vst v2  }
0xae: {  	v2 =	vld [tilespmem:s0+$0xFFFFFFD0];
	_ =	sdelay $0x4  }
0xaf: {  	[tilespmem:$0x187A0] =	vst v2  }
0xb0: {  	v2 =	vld [tilespmem:s0+$0xFFFFFFE0];
	_ =	sdelay $0x4  }
0xb1: {  	[tilespmem:$0x187B0] =	vst v2  }
0xb2: {  	v2 =	vld [tilespmem:s0+$0xFFFFFFF0];
	_ =	sdelay $0x4  }
0xb3: {  	[tilespmem:$0x187C0] =	vst v2  }
0xb4: {  	_ =	swait.ge [sflag:s25], $0x2800  }
0xb5: {  	[sflag:s25] =	ssyncset.done $0x0  }
0xb6: {  	[sflag:s25] =	ssyncadd.s32 $0xFFFFD800  }
0xb7: {  	[spmem:s1] =	stream.indirect.scatter.add.f32 [tilespmem:s19], [sflag:$0x3], $0x80, s26, s23, $0xb8;
	[tilespmem:$0x1D800] =	vst v63  }
0xb8: {  	_ =	swait.ge [sflag:s20], $0x2800  }
0xb9: {  	[sflag:s20] =	ssyncset.done $0x0  }
0xba: {  	[sflag:s20] =	ssyncadd.s32 $0xFFFFD800  }
0xbb: {  	[tilespmem:s19], [sflag:$0x1] =	stream.indirect.gather [hbm4b:s4+s23], $0x80, s8, s23, $0xb8;
	[tilespmem:$0x1D800] =	vst v63  }
0xbc: {  	v2 =	vld [tilespmem:s0+$0x0];
	_ =	sdelay $0x4  }
0xbd: {  	[tilespmem:$0x18780] =	vst v2  }
0xbe: {  	v2 =	vld [tilespmem:s0+$0x10];
	_ =	sdelay $0x4  }
0xbf: {  	[tilespmem:$0x18790] =	vst v2  }
0xc0: {  	v2 =	vld [tilespmem:s0+$0x20];
	_ =	sdelay $0x4  }
0xc1: {  	s3 =	sand.u32 $0x3FE0, s3;
	[tilespmem:$0x187A0] =	vst v2  }
0xc2: {  	v2 =	vld [tilespmem:s3+$0x13900];
	_ =	sdelay $0x4  }
0xc3: {  	[tilespmem:$0x187B0] =	vst v2  }
0xc4: {  	v2 =	vld [tilespmem:s0+$0x40];
	_ =	sdelay $0x4  }
0xc5: {  	[tilespmem:$0x187C0] =	vst v2  }
0xc6: {  	_ =	swait.ge [sflag:s28], $0x2800  }
0xc7: {  	[sflag:s28] =	ssyncset.done $0x0  }
0xc8: {  	[sflag:s28] =	ssyncadd.s32 $0xFFFFD800  }
0xc9: {  	[spmem:s1] =	stream.indirect.scatter.add.f32 [tilespmem:s24], [sflag:$0x3], $0x80, s26, s23, $0xb8;
	[tilespmem:$0x1D800] =	vst v63  }
0xca: {  	_ =	swait.ge [sflag:s20], $0x2800  }
0xcb: {  	[sflag:s20] =	ssyncset.done $0x0  }
0xcc: {  	[sflag:s20] =	ssyncadd.s32 $0xFFFFD800  }
0xcd: {  	[tilespmem:s24], [sflag:$0x2] =	stream.indirect.gather [hbm4b:s4+s23], $0x80, s29, s23, $0xb8;
	[tilespmem:$0x1D800] =	vst v63  }
0xce: {  	v2 =	vld [tilespmem:$0x15EA0]  }
0xcf: {  	v3 =	vld [tilespmem:$0x15EB0]  }
0xd0: {  	v4 =	vld [tilespmem:$0x15EC0]  }
0xd1: {  	v5 =	vld [tilespmem:$0x15ED0]  }
0xd2: {  	v6 =	vld [tilespmem:$0x15EE0]  }
0xd3: {  	[tilespmem:$0x18780] =	vst v2  }
0xd4: {  	[tilespmem:$0x18790] =	vst v3  }
0xd5: {  	[tilespmem:$0x187A0] =	vst v4  }
0xd6: {  	[tilespmem:$0x187B0] =	vst v5  }
0xd7: {  	[tilespmem:$0x187C0] =	vst v6  }
0xd8: {  	_ =	swait.ge [sflag:s25], $0x2800  }
0xd9: {  	[sflag:s25] =	ssyncset.done $0x0  }
0xda: {  	[sflag:s25] =	ssyncadd.s32 $0xFFFFD800  }
0xdb: {  	[spmem:s1] =	stream.indirect.scatter.add.f32 [tilespmem:s19], [sflag:$0x3], $0x80, s26, s23, $0xb8;
	[tilespmem:$0x1D800] =	vst v63  }
0xdc: {  	_ =	swait.ge [sflag:s20], $0x2800  }
0xdd: {  	[sflag:s20] =	ssyncset.done $0x0  }
0xde: {  	[sflag:s20] =	ssyncadd.s32 $0xFFFFD800  }
0xdf: {  	v2 =	vld [tilespmem:$0x15EF0]  }
0xe0: {  	v3 =	vld [tilespmem:$0x15F00]  }
0xe1: {  	v58 =	vld [tilespmem:$0x15F10]  }
0xe2: {  	v59 =	vld [tilespmem:$0x15F20]  }
0xe3: {  	v60 =	vld [tilespmem:$0x15F30]  }
0xe4: {  	[tilespmem:$0x18780] =	vst v2  }
0xe5: {  	[tilespmem:$0x18790] =	vst v3  }
0xe6: {  	[tilespmem:$0x187A0] =	vst v58  }
0xe7: {  	[tilespmem:$0x187B0] =	vst v59  }
0xe8: {  	[tilespmem:$0x187C0] =	vst v60  }
0xe9: {  	_ =	swait.ge [sflag:s28], $0x2800  }
0xea: {  	[sflag:s28] =	ssyncset.done $0x0  }
0xeb: {  	[sflag:s28] =	ssyncadd.s32 $0xFFFFD800  }
0xec: {  	[spmem:s1] =	stream.indirect.scatter.add.f32 [tilespmem:s24], [sflag:$0x3], $0x80, s26, s23, $0xb8;
	[tilespmem:$0x1D800] =	vst v63  }
0xed: {  	_ =	swait.ge [sflag:s20], $0x2800  }
0xee: {  	[sflag:s20] =	ssyncset.done $0x0  }
0xef: {  	[sflag:s20] =	ssyncadd.s32 $0xFFFFD800  }
0xf0: {  	[tilespmem:s19], [sflag:$0x1] =	stream.indirect.gather [hbm4b:s4+s23], $0x80, s30, s23, $0xb8;
	[tilespmem:$0x1D800] =	vst v63  }
0xf1: {  	v2 =	vld [tilespmem:$0x15F40]  }
0xf2: {  	v3 =	vld [tilespmem:$0x15F50]  }
0xf3: {  	v61 =	vld [tilespmem:$0x15F60]  }
0xf4: {  	v62 =	vld [tilespmem:$0x15F70]  }
0xf5: {  	v63 =	vld [tilespmem:$0x15F80]  }
0xf6: {  	[tilespmem:$0x18780] =	vst v2  }
0xf7: {  	[tilespmem:$0x18790] =	vst v3  }
0xf8: {  	[tilespmem:$0x187A0] =	vst v61  }
0xf9: {  	[tilespmem:$0x187B0] =	vst v62  }
0xfa: {  	[tilespmem:$0x187C0] =	vst v63  }
0xfb: {  	_ =	swait.ge [sflag:s25], $0x2800  }
0xfc: {  	[sflag:s25] =	ssyncset.done $0x0  }
.Ltmp3:
0xfd: {  	[sflag:s25] =	ssyncadd.s32 $0xFFFFD800;
	(pc) =	sbr.rel @p1 .LBB2_4-.Ltmp3, $4  }
0xfe: {  	[spmem:s1] =	stream.indirect.scatter.add.f32 [tilespmem:s19], [sflag:$0x3], $0x80, s26, s23, $0xb8;
	[tilespmem:$0x1D800] =	vst v63  }
0xff: {  	_ =	swait.ge [sflag:s20], $0x2800  }
0x100: {  	[sflag:s20] =	ssyncset.done $0x0  }
0x101: {  	p2 =	por $0x0, $0x0;
	s0 =	simm.s32 $0x2710;
	[sflag:s20] =	ssyncadd.s32 $0xFFFFD800  }
0x102: {  	[bflag:$0x0] =	sbarrier.arrive $0xFFFF  }
0x103: {  	s0 =	sshrl.u32 @p0 s9, $0x3;
	s3 =	simm.s32 @p0 $0x1FC3;
	s8 =	rddreg [dreg:$0x4]  }
0x104: {  	[hbm:s8], [sflag:s3] =	dma.local @p0 [spmem:s0], $0x1900  }
0x105: {  	s0 =	simm.s32 @p0 $0x3  }
0x106: {  	s3 =	stileid.u32;
	_ =	swait.ge @p0 [sflag:s0], $0x1900  }
0x107: {  	s3 =	sshll.u32 @!p0 s3, $0x6;
	[sflag:s0] =	ssyncset.done @p0 $0x0;
	s8 =	rddreg [dreg:$0x3]  }
0x108: {  	[sflag:s0] =	ssyncadd.s32 @p0 $0xFFFFE700;
	s0 =	sor.u32 @!p0 $0x1C03, s3;
	s3 =	sshrl.u32 @!p0 s7, $0x3  }
0x109: {  	[hbm:s8], [sflag:s0] =	dma.local @!p0 [spmem:s3], $0x2800  }
0x10a: {  	s0 =	simm.s32 @!p0 $0x3  }
0x10b: {  	_ =	swait.ge @!p0 [sflag:s0], $0x2800  }
0x10c: {  	s2 =	sadd.s32 $0x1, s2;
	s12 =	rddreg [dreg:$0x5]  }
0x10d: {  	p1 =	sne.s32 s2, s12  }
.Ltmp4:
0x10e: {  	_ = 	snop;
	(pc) =	sbr.rel @p1 .LBB2_1-.Ltmp4, $3  }
0x10f: {  	_ =	sdelay $0x1  }
0x110: {  	[sflag:s0] =	ssyncset.done @!p0 $0x0  }
0x111: {  	[sflag:s0] =	ssyncadd.s32 @!p0 $0xFFFFD800  }
0x112: {  	_ =	sfence.sel $0x180000  }
0x113: {  	[bflag:$0x0] =	sbarrier.arrive $0xFFFF  }
0x114: {  	_ =	strace $0x90000047  }
0x115: {  	s0 =	stileid.u32;
	[bflag:$0x2] =	sbarrier.arrive $0xFFFF  }
0x116: {  	p0 =	sne.s32 s0, $0x0;
	s0 =	rddreg [dreg:$0x2]  }
0x117: {  	s0 =	sadd.s32 @!p0 $0x100000, s0  }
0x118: {  	[sflag:s0] =	ssyncadd.tile.s32 @!p0 $0x1;
	_ =	shalt  }
.Lfunc_end2:
_tile_overlayer_lowered:
.L_overlay_start_2:
0x119: {  	(tag) =	ssettag $0x2  }
0x11a: {  	s0 =	rddreg [dreg:$0x0];
	s2 =	stileid.u32  }
0x11b: {  	s1 =	rddreg [dreg:$0x1];
	p0 =	sne.s32 s2, $0x0  }
0x11c: {  	s3 =	rddreg [dreg:$0x2];
	[bflag:$0x3] =	sbarrier.arrive $0xFFFF;
	s2 =	simm.s32 @!p0 $0x1C03  }
0x11d: {  	[timem:s3], [sflag:s2] =	dma.local @!p0 [hbm:s0], s1  }
0x11e: {  	s0 =	simm.s32 @!p0 $0x3  }
0x11f: {  	_ =	swait.ge @!p0 [sflag:s0], s1  }
0x120: {  	s1 =	ssub.s32 @!p0 $0x0, s1;
	[sflag:s0] =	ssyncset.done @!p0 $0x0  }
0x121: {  	[sflag:s0] =	ssyncadd.s32 @!p0 s1  }
0x122: {  	[bflag:$0x3] =	sbarrier.arrive $0xFFFF  }
0x123: {  	_ =	shalt  }

</sc_bundles>
